<compile_context>
chip_gen: v7x
topology: tpu7x:2x2x1
jax: 0.10.2.dev20260603
libtpu: 0.0.44.dev20260713+nightly
codegen_flags: <defaults>
</compile_context>

<pallas_src>
import functools

import jax
import jax.numpy as jnp
from jax import lax
from jax.experimental import pallas as pl
from jax.experimental.pallas import tpu as pltpu
from jax.experimental.pallas import tpu_sc as plsc

NC = 2
NS = 16
L = 16
NW = NC * NS

B = 64
N = 4096
G = 200
BPW = B // NW
ITERS = N // L
OPR = 2 * N // 128

_mesh = plsc.VectorSubcoreMesh(core_axis_name="c", subcore_axis_name="s")


@functools.partial(
    pl.kernel,
    out_type=jax.ShapeDtypeStruct((NW * L,), jnp.float32),
    mesh=_mesh,
    scratch_types=[
        pltpu.VMEM((G, G), jnp.float32),
        pltpu.VMEM((G, G), jnp.float32),
        pltpu.VMEM((N // 128, 2, 128), jnp.float32),
        pltpu.VMEM((N // 128, 2, 128), jnp.float32),
        pltpu.VMEM((L,), jnp.float32),
        pltpu.SemaphoreType.DMA,
        pltpu.SemaphoreType.DMA,
    ],
    compiler_params=pltpu.CompilerParams(
        needs_layout_passes=False, use_tc_tiling_on_sc=True),
)
def _collision_sc(op_hbm, env_hbm, out_hbm,
                  emap0_v, emap1_v, opst0_v, opst1_v, out_v, sem0, sem1):
    wid = lax.axis_index("s") * NC + lax.axis_index("c")
    b0 = wid * BPW

    cp0e = pltpu.async_copy(env_hbm.at[b0, 0], emap0_v, sem0)
    cp0o = pltpu.async_copy(op_hbm.at[b0], opst0_v, sem0)
    cp1e = pltpu.async_copy(env_hbm.at[b0 + 1, 0], emap1_v, sem1)
    cp1o = pltpu.async_copy(op_hbm.at[b0 + 1], opst1_v, sem1)

    def run_batch(emap_v, opst_v, acc0):
        @plsc.parallel_loop(0, ITERS, unroll=2, carry=acc0)
        def body(i, acc):
            t = i >> 3
            q = (i & 7) * L
            px = opst_v[t, 0, pl.ds(q, L)]
            py = opst_v[t, 1, pl.ds(q, L)]

            cx = jnp.clip(px, -9.9, 9.9)
            cy = jnp.clip(py, -9.9, 9.9)
            outr = jnp.maximum(jnp.abs(px), jnp.abs(py)) > 9.9
            tx = (cx + 9.95) * 10.0
            ty = (cy + 9.95) * 10.0
            fxi = tx.astype(jnp.int32)
            fyi = ty.astype(jnp.int32)
            dx = tx - fxi.astype(jnp.float32)
            dy = ty - fyi.astype(jnp.float32)

            fxi1 = fxi + 1
            fyi1 = fyi + 1
            v00 = plsc.load_gather(emap_v, [fxi, fyi])
            v10 = plsc.load_gather(emap_v, [fxi1, fyi])
            v01 = plsc.load_gather(emap_v, [fxi, fyi1])
            v11 = plsc.load_gather(emap_v, [fxi1, fyi1])

            lo = v00 + dx * (v10 - v00)
            hi = v01 + dx * (v11 - v01)
            v0 = lo + dy * (hi - lo)
            v0 = jnp.where(outr, -1.0, v0)
            pen = jnp.maximum(0.3 - v0, 0.0)
            return acc + pen * pen

        return body

    cp0e.wait()
    cp0o.wait()
    acc = run_batch(emap0_v, opst0_v, jnp.zeros((L,), jnp.float32))
    cp1e.wait()
    cp1o.wait()
    acc = run_batch(emap1_v, opst1_v, acc)

    out_v[...] = acc * 100.0
    pltpu.sync_copy(out_v, out_hbm.at[pl.ds(wid * L, L)])


def kernel(opState, envs):
    op4d = opState.reshape(B, N // 128, 128, 2).transpose(0, 1, 3, 2)
    partials = _collision_sc(op4d, envs)
    return jnp.sum(partials) / (B * N)

# --- scband reference (transcript-rebuilt; emitter-appended) ---
"""Pipeline reference for scband-collision-loss-80032420594331 (READ-ONLY COPY).

The authoritative reference and input builder live on the scoring server;
editing this copy changes nothing except your own understanding.
"""

import jax, jax.numpy as jnp
import numpy as np


def setup_inputs(seed: int = 0) -> dict:
    key = jax.random.key(seed)
    k1, k2 = jax.random.split(key)
    # opState: 2D positions in world frame [-10, 10]; N(0,1) keeps them in range
    opState = jax.random.normal(k1, (64, 4096, 2), dtype=jnp.float32)
    # envs: per-batch ESDF grid, res=0.1 over [-10,10] -> 200x200 cells
    envs = jax.random.uniform(k2, (64, 1, 200, 200), dtype=jnp.float32)
    return {"opState": opState, "envs": envs}


def reference(opState, envs):
    res = 0.1
    outRange = (opState < -9.9) | (opState > 9.9)
    outRange = outRange[:, :, 0] | outRange[:, :, 1]
    pos = jnp.clip(opState, -9.9, 9.9)
    pos_m = pos - 0.5 * res
    idx = jnp.floor((pos_m + 10.0) / res).astype(jnp.int32)
    idx_pos = (idx.astype(jnp.float32) + 0.5) * res - 10.0
    diff = (pos - idx_pos) / res
    Bs = opState.shape[0]
    b = jnp.arange(Bs)[:, None]
    emap = envs[:, 0]

    def gat(x, y):
        return emap[b, idx[:, :, 0] + x, idx[:, :, 1] + y]

    v00g = gat(0, 0)
    v10g = gat(1, 0)
    v01g = gat(0, 1)
    v11g = gat(1, 1)
    v00 = (1.0 - diff[:, :, 0]) * v00g + diff[:, :, 0] * v10g
    v10 = (1.0 - diff[:, :, 0]) * v01g + diff[:, :, 0] * v11g
    v0 = (1.0 - diff[:, :, 1]) * v00 + diff[:, :, 1] * v10
    v0 = jnp.where(outRange, -1.0, v0)
    viod = 10.0 * (0.3 - v0)
    penalty = jnp.maximum(viod, 0.0) ** 2
    return jnp.mean(penalty)

if __name__ == "__main__":
    import jax
    _d = setup_inputs()
    print(jax.jit(kernel)(*tuple(_d.values())))

</pallas_src>

<mosaic_0001>
#map = affine_map<(d0, d1) -> (0, 0, 0, 0)>
#map1 = affine_map<(d0, d1) -> (0)>
module attributes {stable_mosaic.version = 14 : i64} {
  func.func @_collision_sc(%arg0: i32, %arg1: i32, %arg2: memref<64x32x2x128xf32, #tpu.memory_space<hbm>>, %arg3: memref<64x1x200x200xf32, #tpu.memory_space<hbm>>, %arg4: memref<512xf32, #tpu.memory_space<hbm>>, %arg5: memref<200x200xf32, #tpu.memory_space<vmem>>, %arg6: memref<200x200xf32, #tpu.memory_space<vmem>>, %arg7: memref<32x2x128xf32, #tpu.memory_space<vmem>>, %arg8: memref<32x2x128xf32, #tpu.memory_space<vmem>>, %arg9: memref<16xf32, #tpu.memory_space<vmem>>, %arg10: memref<!tpu.dma_semaphore, #tpu.memory_space<semaphore_mem>>, %arg11: memref<!tpu.dma_semaphore, #tpu.memory_space<semaphore_mem>>) attributes {dimension_semantics = [#tpu.dimension_semantics<core_parallel>, #tpu.dimension_semantics<subcore_parallel>], iteration_bounds = array<i64: 2, 16>, scalar_prefetch = 0 : i64, scratch_operands = 7 : i64, tpu.core_type = #tpu.core_type<sc_vector_subcore>, window_params = [{transform_indices = #map}, {transform_indices = #map}, {transform_indices = #map1}]} {
    %mul3A = arith.constant 2 : i32
    %mul3A_0 = arith.muli %arg1, %mul3A : i32
    %add3A = arith.addi %mul3A_0, %arg0 : i32
    %mul3A_1 = arith.constant 2 : i32
    %mul3A_2 = arith.muli %add3A, %mul3A_1 : i32
    %dma_start3A = arith.constant 0 : i32
    %dma_start3A_3 = arith.constant 0 : i32
    %dma_start3A_4 = arith.constant 0 : i32
    %dma_start3A_5 = tpu.memref_slice %arg3[%mul3A_2, %dma_start3A, %dma_start3A_3, %dma_start3A_4] : memref<64x1x200x200xf32, #tpu.memory_space<hbm>> -> memref<1x1x200x200xf32, #tpu.memory_space<hbm>>
    %dma_start3A_6 = tpu.memref_squeeze %dma_start3A_5 : memref<1x1x200x200xf32, #tpu.memory_space<hbm>> -> memref<200x200xf32, #tpu.memory_space<hbm>>
    %dma_start3A_7 = arith.constant 0 : i32
    %dma_start3A_8 = arith.constant 0 : i32
    %dma_start3A_9 = tpu.memref_slice %arg3[%mul3A_2, %dma_start3A, %dma_start3A_7, %dma_start3A_8] : memref<64x1x200x200xf32, #tpu.memory_space<hbm>> -> memref<1x1x200x200xf32, #tpu.memory_space<hbm>>
    %dma_start3A_10 = tpu.memref_squeeze %dma_start3A_9 : memref<1x1x200x200xf32, #tpu.memory_space<hbm>> -> memref<200x200xf32, #tpu.memory_space<hbm>>
    tpu.enqueue_dma source(%dma_start3A_10 : memref<200x200xf32, #tpu.memory_space<hbm>>) target(%arg5 : memref<200x200xf32, #tpu.memory_space<vmem>>) target_semaphore(%arg10 : memref<!tpu.dma_semaphore, #tpu.memory_space<semaphore_mem>>)
    %dma_start3A_11 = arith.constant 0 : i32
    %dma_start3A_12 = arith.constant 0 : i32
    %dma_start3A_13 = arith.constant 0 : i32
    %dma_start3A_14 = tpu.memref_slice %arg2[%mul3A_2, %dma_start3A_11, %dma_start3A_12, %dma_start3A_13] : memref<64x32x2x128xf32, #tpu.memory_space<hbm>> -> memref<1x32x2x128xf32, #tpu.memory_space<hbm>>
    %dma_start3A_15 = tpu.memref_squeeze %dma_start3A_14 : memref<1x32x2x128xf32, #tpu.memory_space<hbm>> -> memref<32x2x128xf32, #tpu.memory_space<hbm>>
    %dma_start3A_16 = arith.constant 0 : i32
    %dma_start3A_17 = arith.constant 0 : i32
    %dma_start3A_18 = arith.constant 0 : i32
    %dma_start3A_19 = tpu.memref_slice %arg2[%mul3A_2, %dma_start3A_16, %dma_start3A_17, %dma_start3A_18] : memref<64x32x2x128xf32, #tpu.memory_space<hbm>> -> memref<1x32x2x128xf32, #tpu.memory_space<hbm>>
    %dma_start3A_20 = tpu.memref_squeeze %dma_start3A_19 : memref<1x32x2x128xf32, #tpu.memory_space<hbm>> -> memref<32x2x128xf32, #tpu.memory_space<hbm>>
    tpu.enqueue_dma source(%dma_start3A_20 : memref<32x2x128xf32, #tpu.memory_space<hbm>>) target(%arg7 : memref<32x2x128xf32, #tpu.memory_space<vmem>>) target_semaphore(%arg10 : memref<!tpu.dma_semaphore, #tpu.memory_space<semaphore_mem>>)
    %add3A_21 = arith.constant 1 : i32
    %add3A_22 = arith.addi %mul3A_2, %add3A_21 : i32
    %dma_start3A_23 = arith.constant 0 : i32
    %dma_start3A_24 = arith.constant 0 : i32
    %dma_start3A_25 = arith.constant 0 : i32
    %dma_start3A_26 = tpu.memref_slice %arg3[%add3A_22, %dma_start3A_23, %dma_start3A_24, %dma_start3A_25] : memref<64x1x200x200xf32, #tpu.memory_space<hbm>> -> memref<1x1x200x200xf32, #tpu.memory_space<hbm>>
    %dma_start3A_27 = tpu.memref_squeeze %dma_start3A_26 : memref<1x1x200x200xf32, #tpu.memory_space<hbm>> -> memref<200x200xf32, #tpu.memory_space<hbm>>
    %dma_start3A_28 = arith.constant 0 : i32
    %dma_start3A_29 = arith.constant 0 : i32
    %dma_start3A_30 = tpu.memref_slice %arg3[%add3A_22, %dma_start3A_23, %dma_start3A_28, %dma_start3A_29] : memref<64x1x200x200xf32, #tpu.memory_space<hbm>> -> memref<1x1x200x200xf32, #tpu.memory_space<hbm>>
    %dma_start3A_31 = tpu.memref_squeeze %dma_start3A_30 : memref<1x1x200x200xf32, #tpu.memory_space<hbm>> -> memref<200x200xf32, #tpu.memory_space<hbm>>
    tpu.enqueue_dma source(%dma_start3A_31 : memref<200x200xf32, #tpu.memory_space<hbm>>) target(%arg6 : memref<200x200xf32, #tpu.memory_space<vmem>>) target_semaphore(%arg11 : memref<!tpu.dma_semaphore, #tpu.memory_space<semaphore_mem>>)
    %add3A_32 = arith.constant 1 : i32
    %add3A_33 = arith.addi %mul3A_2, %add3A_32 : i32
    %dma_start3A_34 = arith.constant 0 : i32
    %dma_start3A_35 = arith.constant 0 : i32
    %dma_start3A_36 = arith.constant 0 : i32
    %dma_start3A_37 = tpu.memref_slice %arg2[%add3A_33, %dma_start3A_34, %dma_start3A_35, %dma_start3A_36] : memref<64x32x2x128xf32, #tpu.memory_space<hbm>> -> memref<1x32x2x128xf32, #tpu.memory_space<hbm>>
    %dma_start3A_38 = tpu.memref_squeeze %dma_start3A_37 : memref<1x32x2x128xf32, #tpu.memory_space<hbm>> -> memref<32x2x128xf32, #tpu.memory_space<hbm>>
    %dma_start3A_39 = arith.constant 0 : i32
    %dma_start3A_40 = arith.constant 0 : i32
    %dma_start3A_41 = arith.constant 0 : i32
    %dma_start3A_42 = tpu.memref_slice %arg2[%add3A_33, %dma_start3A_39, %dma_start3A_40, %dma_start3A_41] : memref<64x32x2x128xf32, #tpu.memory_space<hbm>> -> memref<1x32x2x128xf32, #tpu.memory_space<hbm>>
    %dma_start3A_43 = tpu.memref_squeeze %dma_start3A_42 : memref<1x32x2x128xf32, #tpu.memory_space<hbm>> -> memref<32x2x128xf32, #tpu.memory_space<hbm>>
    tpu.enqueue_dma source(%dma_start3A_43 : memref<32x2x128xf32, #tpu.memory_space<hbm>>) target(%arg8 : memref<32x2x128xf32, #tpu.memory_space<vmem>>) target_semaphore(%arg11 : memref<!tpu.dma_semaphore, #tpu.memory_space<semaphore_mem>>)
    %dma_wait3A = arith.constant 0 : i32
    %dma_wait3A_44 = arith.constant 0 : i32
    %dma_wait3A_45 = arith.constant 0 : i32
    %dma_wait3A_46 = tpu.memref_slice %arg3[%mul3A_2, %dma_wait3A, %dma_wait3A_44, %dma_wait3A_45] : memref<64x1x200x200xf32, #tpu.memory_space<hbm>> -> memref<1x1x200x200xf32, #tpu.memory_space<hbm>>
    %dma_wait3A_47 = tpu.memref_squeeze %dma_wait3A_46 : memref<1x1x200x200xf32, #tpu.memory_space<hbm>> -> memref<200x200xf32, #tpu.memory_space<hbm>>
    %dma_wait3A_48 = arith.constant 0 : i32
    %dma_wait3A_49 = arith.constant 0 : i32
    %dma_wait3A_50 = tpu.memref_slice %arg3[%mul3A_2, %dma_wait3A, %dma_wait3A_48, %dma_wait3A_49] : memref<64x1x200x200xf32, #tpu.memory_space<hbm>> -> memref<1x1x200x200xf32, #tpu.memory_space<hbm>>
    %dma_wait3A_51 = tpu.memref_squeeze %dma_wait3A_50 : memref<1x1x200x200xf32, #tpu.memory_space<hbm>> -> memref<200x200xf32, #tpu.memory_space<hbm>>
    tpu.wait_dma2 semaphore(%arg10 : memref<!tpu.dma_semaphore, #tpu.memory_space<semaphore_mem>>) src(%dma_wait3A_51 : memref<200x200xf32, #tpu.memory_space<hbm>>) dst(%arg5 : memref<200x200xf32, #tpu.memory_space<vmem>>)
    %dma_wait3A_52 = arith.constant 0 : i32
    %dma_wait3A_53 = arith.constant 0 : i32
    %dma_wait3A_54 = arith.constant 0 : i32
    %dma_wait3A_55 = tpu.memref_slice %arg2[%mul3A_2, %dma_wait3A_52, %dma_wait3A_53, %dma_wait3A_54] : memref<64x32x2x128xf32, #tpu.memory_space<hbm>> -> memref<1x32x2x128xf32, #tpu.memory_space<hbm>>
    %dma_wait3A_56 = tpu.memref_squeeze %dma_wait3A_55 : memref<1x32x2x128xf32, #tpu.memory_space<hbm>> -> memref<32x2x128xf32, #tpu.memory_space<hbm>>
    %dma_wait3A_57 = arith.constant 0 : i32
    %dma_wait3A_58 = arith.constant 0 : i32
    %dma_wait3A_59 = arith.constant 0 : i32
    %dma_wait3A_60 = tpu.memref_slice %arg2[%mul3A_2, %dma_wait3A_57, %dma_wait3A_58, %dma_wait3A_59] : memref<64x32x2x128xf32, #tpu.memory_space<hbm>> -> memref<1x32x2x128xf32, #tpu.memory_space<hbm>>
    %dma_wait3A_61 = tpu.memref_squeeze %dma_wait3A_60 : memref<1x32x2x128xf32, #tpu.memory_space<hbm>> -> memref<32x2x128xf32, #tpu.memory_space<hbm>>
    tpu.wait_dma2 semaphore(%arg10 : memref<!tpu.dma_semaphore, #tpu.memory_space<semaphore_mem>>) src(%dma_wait3A_61 : memref<32x2x128xf32, #tpu.memory_space<hbm>>) dst(%arg7 : memref<32x2x128xf32, #tpu.memory_space<vmem>>)
    %broadcast_in_dim3A = arith.constant 0.000000e+00 : f32
    %broadcast_in_dim3A_62 = vector.broadcast %broadcast_in_dim3A : f32 to vector<16xf32>
    %parallel_loop3A = arith.constant 0 : i32
    %parallel_loop3A_63 = arith.constant 256 : i32
    %parallel_loop3A_64 = arith.constant 1 : i32
    %parallel_loop3A_65 = scf.for %parallel_loop3A_95 = %parallel_loop3A to %parallel_loop3A_63 step %parallel_loop3A_64 iter_args(%parallel_loop3A_96 = %broadcast_in_dim3A_62) -> (vector<16xf32>)  : i32 {
      %parallel_loop3A_97 = arith.constant 3 : i32
      %parallel_loop3A_98 = arith.shrsi %parallel_loop3A_95, %parallel_loop3A_97 : i32
      %parallel_loop3A_99 = arith.constant 7 : i32
      %parallel_loop3A_100 = arith.andi %parallel_loop3A_95, %parallel_loop3A_99 : i32
      %parallel_loop3A_101 = arith.constant 16 : i32
      %parallel_loop3A_102 = arith.muli %parallel_loop3A_100, %parallel_loop3A_101 : i32
      %parallel_loop3A_103 = arith.constant 0 : i32
      %parallel_loop3A_104 = arith.index_cast %parallel_loop3A_98 : i32 to index
      %parallel_loop3A_105 = arith.index_cast %parallel_loop3A_103 : i32 to index
      %parallel_loop3A_106 = arith.index_cast %parallel_loop3A_102 : i32 to index
      %parallel_loop3A_107 = tpu.vector_load %arg7[%parallel_loop3A_104, %parallel_loop3A_105, %parallel_loop3A_106] {strides = array<i32>} : memref<32x2x128xf32, #tpu.memory_space<vmem>>, vector<16xf32>,
      %parallel_loop3A_108 = arith.constant 1 : i32
      %parallel_loop3A_109 = arith.index_cast %parallel_loop3A_98 : i32 to index
      %parallel_loop3A_110 = arith.index_cast %parallel_loop3A_108 : i32 to index
      %parallel_loop3A_111 = arith.index_cast %parallel_loop3A_102 : i32 to index
      %parallel_loop3A_112 = tpu.vector_load %arg7[%parallel_loop3A_109, %parallel_loop3A_110, %parallel_loop3A_111] {strides = array<i32>} : memref<32x2x128xf32, #tpu.memory_space<vmem>>, vector<16xf32>,
      %parallel_loop3A_113 = arith.constant -9.89999961 : f32
      %parallel_loop3A_114 = arith.constant 9.89999961 : f32
      %parallel_loop3A_115 = vector.broadcast %parallel_loop3A_113 : f32 to vector<16xf32>
      %parallel_loop3A_116 = arith.maximumf %parallel_loop3A_115, %parallel_loop3A_107 : vector<16xf32>
      %parallel_loop3A_117 = vector.broadcast %parallel_loop3A_114 : f32 to vector<16xf32>
      %parallel_loop3A_118 = arith.minimumf %parallel_loop3A_117, %parallel_loop3A_116 : vector<16xf32>
      %parallel_loop3A_119 = arith.constant -9.89999961 : f32
      %parallel_loop3A_120 = arith.constant 9.89999961 : f32
      %parallel_loop3A_121 = vector.broadcast %parallel_loop3A_119 : f32 to vector<16xf32>
      %parallel_loop3A_122 = arith.maximumf %parallel_loop3A_121, %parallel_loop3A_112 : vector<16xf32>
      %parallel_loop3A_123 = vector.broadcast %parallel_loop3A_120 : f32 to vector<16xf32>
      %parallel_loop3A_124 = arith.minimumf %parallel_loop3A_123, %parallel_loop3A_122 : vector<16xf32>
      %parallel_loop3A_125 = math.absf %parallel_loop3A_107 : vector<16xf32>
      %parallel_loop3A_126 = math.absf %parallel_loop3A_112 : vector<16xf32>
      %parallel_loop3A_127 = arith.maximumf %parallel_loop3A_125, %parallel_loop3A_126 : vector<16xf32>
      %parallel_loop3A_128 = arith.constant 9.89999961 : f32
      %parallel_loop3A_129 = vector.broadcast %parallel_loop3A_128 : f32 to vector<16xf32>
      %parallel_loop3A_130 = arith.cmpf ogt, %parallel_loop3A_127, %parallel_loop3A_129 : vector<16xf32>
      %parallel_loop3A_131 = arith.constant 9.9499998 : f32
      %parallel_loop3A_132 = vector.broadcast %parallel_loop3A_131 : f32 to vector<16xf32>
      %parallel_loop3A_133 = arith.addf %parallel_loop3A_118, %parallel_loop3A_132 : vector<16xf32>
      %parallel_loop3A_134 = arith.constant 1.000000e+01 : f32
      %parallel_loop3A_135 = vector.broadcast %parallel_loop3A_134 : f32 to vector<16xf32>
      %parallel_loop3A_136 = arith.mulf %parallel_loop3A_133, %parallel_loop3A_135 : vector<16xf32>
      %parallel_loop3A_137 = arith.constant 9.9499998 : f32
      %parallel_loop3A_138 = vector.broadcast %parallel_loop3A_137 : f32 to vector<16xf32>
      %parallel_loop3A_139 = arith.addf %parallel_loop3A_124, %parallel_loop3A_138 : vector<16xf32>
      %parallel_loop3A_140 = arith.constant 1.000000e+01 : f32
      %parallel_loop3A_141 = vector.broadcast %parallel_loop3A_140 : f32 to vector<16xf32>
      %parallel_loop3A_142 = arith.mulf %parallel_loop3A_139, %parallel_loop3A_141 : vector<16xf32>
      %parallel_loop3A_143 = arith.fptosi %parallel_loop3A_136 : vector<16xf32> to vector<16xi32>
      %parallel_loop3A_144 = arith.fptosi %parallel_loop3A_142 : vector<16xf32> to vector<16xi32>
      %parallel_loop3A_145 = arith.sitofp %parallel_loop3A_143 : vector<16xi32> to vector<16xf32>
      %parallel_loop3A_146 = arith.subf %parallel_loop3A_136, %parallel_loop3A_145 : vector<16xf32>
      %parallel_loop3A_147 = arith.sitofp %parallel_loop3A_144 : vector<16xi32> to vector<16xf32>
      %parallel_loop3A_148 = arith.subf %parallel_loop3A_142, %parallel_loop3A_147 : vector<16xf32>
      %parallel_loop3A_149 = arith.constant 1 : i32
      %parallel_loop3A_150 = vector.broadcast %parallel_loop3A_149 : i32 to vector<16xi32>
      %parallel_loop3A_151 = arith.addi %parallel_loop3A_143, %parallel_loop3A_150 : vector<16xi32>
      %parallel_loop3A_152 = arith.constant 1 : i32
      %parallel_loop3A_153 = vector.broadcast %parallel_loop3A_152 : i32 to vector<16xi32>
      %parallel_loop3A_154 = arith.addi %parallel_loop3A_144, %parallel_loop3A_153 : vector<16xi32>
      %parallel_loop3A_155 = tpu.vector_load_idx %arg5[%parallel_loop3A_143, %parallel_loop3A_144] : memref<200x200xf32, #tpu.memory_space<vmem>>[vector<16xi32>, vector<16xi32>], vector<16xf32>,
      %parallel_loop3A_156 = tpu.vector_load_idx %arg5[%parallel_loop3A_151, %parallel_loop3A_144] : memref<200x200xf32, #tpu.memory_space<vmem>>[vector<16xi32>, vector<16xi32>], vector<16xf32>,
      %parallel_loop3A_157 = tpu.vector_load_idx %arg5[%parallel_loop3A_143, %parallel_loop3A_154] : memref<200x200xf32, #tpu.memory_space<vmem>>[vector<16xi32>, vector<16xi32>], vector<16xf32>,
      %parallel_loop3A_158 = tpu.vector_load_idx %arg5[%parallel_loop3A_151, %parallel_loop3A_154] : memref<200x200xf32, #tpu.memory_space<vmem>>[vector<16xi32>, vector<16xi32>], vector<16xf32>,
      %parallel_loop3A_159 = arith.subf %parallel_loop3A_156, %parallel_loop3A_155 : vector<16xf32>
      %parallel_loop3A_160 = arith.mulf %parallel_loop3A_146, %parallel_loop3A_159 : vector<16xf32>
      %parallel_loop3A_161 = arith.addf %parallel_loop3A_155, %parallel_loop3A_160 : vector<16xf32>
      %parallel_loop3A_162 = arith.subf %parallel_loop3A_158, %parallel_loop3A_157 : vector<16xf32>
      %parallel_loop3A_163 = arith.mulf %parallel_loop3A_146, %parallel_loop3A_162 : vector<16xf32>
      %parallel_loop3A_164 = arith.addf %parallel_loop3A_157, %parallel_loop3A_163 : vector<16xf32>
      %parallel_loop3A_165 = arith.subf %parallel_loop3A_164, %parallel_loop3A_161 : vector<16xf32>
      %parallel_loop3A_166 = arith.mulf %parallel_loop3A_148, %parallel_loop3A_165 : vector<16xf32>
      %parallel_loop3A_167 = arith.addf %parallel_loop3A_161, %parallel_loop3A_166 : vector<16xf32>
      %parallel_loop3A_168 = arith.constant -1.000000e+00 : f32
      %parallel_loop3A_169 = vector.broadcast %parallel_loop3A_168 : f32 to vector<16xf32>
      %parallel_loop3A_170 = arith.select %parallel_loop3A_130, %parallel_loop3A_169, %parallel_loop3A_167 : vector<16xi1>, vector<16xf32>
      %parallel_loop3A_171 = arith.constant 3.000000e-01 : f32
      %parallel_loop3A_172 = vector.broadcast %parallel_loop3A_171 : f32 to vector<16xf32>
      %parallel_loop3A_173 = arith.subf %parallel_loop3A_172, %parallel_loop3A_170 : vector<16xf32>
      %parallel_loop3A_174 = arith.constant 0.000000e+00 : f32
      %parallel_loop3A_175 = vector.broadcast %parallel_loop3A_174 : f32 to vector<16xf32>
      %parallel_loop3A_176 = arith.maximumf %parallel_loop3A_173, %parallel_loop3A_175 : vector<16xf32>
      %parallel_loop3A_177 = arith.mulf %parallel_loop3A_176, %parallel_loop3A_176 : vector<16xf32>
      %parallel_loop3A_178 = arith.addf %parallel_loop3A_96, %parallel_loop3A_177 : vector<16xf32>
      scf.yield %parallel_loop3A_178 : vector<16xf32>
    } {sc.loop_unroll_factor = 2 : i64, sc.parallel_access}
    %dma_wait3A_66 = arith.constant 0 : i32
    %dma_wait3A_67 = arith.constant 0 : i32
    %dma_wait3A_68 = arith.constant 0 : i32
    %dma_wait3A_69 = tpu.memref_slice %arg3[%add3A_22, %dma_wait3A_66, %dma_wait3A_67, %dma_wait3A_68] : memref<64x1x200x200xf32, #tpu.memory_space<hbm>> -> memref<1x1x200x200xf32, #tpu.memory_space<hbm>>
    %dma_wait3A_70 = tpu.memref_squeeze %dma_wait3A_69 : memref<1x1x200x200xf32, #tpu.memory_space<hbm>> -> memref<200x200xf32, #tpu.memory_space<hbm>>
    %dma_wait3A_71 = arith.constant 0 : i32
    %dma_wait3A_72 = arith.constant 0 : i32
    %dma_wait3A_73 = tpu.memref_slice %arg3[%add3A_22, %dma_wait3A_66, %dma_wait3A_71, %dma_wait3A_72] : memref<64x1x200x200xf32, #tpu.memory_space<hbm>> -> memref<1x1x200x200xf32, #tpu.memory_space<hbm>>
    %dma_wait3A_74 = tpu.memref_squeeze %dma_wait3A_73 : memref<1x1x200x200xf32, #tpu.memory_space<hbm>> -> memref<200x200xf32, #tpu.memory_space<hbm>>
    tpu.wait_dma2 semaphore(%arg11 : memref<!tpu.dma_semaphore, #tpu.memory_space<semaphore_mem>>) src(%dma_wait3A_74 : memref<200x200xf32, #tpu.memory_space<hbm>>) dst(%arg6 : memref<200x200xf32, #tpu.memory_space<vmem>>)
    %dma_wait3A_75 = arith.constant 0 : i32
    %dma_wait3A_76 = arith.constant 0 : i32
    %dma_wait3A_77 = arith.constant 0 : i32
    %dma_wait3A_78 = tpu.memref_slice %arg2[%add3A_33, %dma_wait3A_75, %dma_wait3A_76, %dma_wait3A_77] : memref<64x32x2x128xf32, #tpu.memory_space<hbm>> -> memref<1x32x2x128xf32, #tpu.memory_space<hbm>>
    %dma_wait3A_79 = tpu.memref_squeeze %dma_wait3A_78 : memref<1x32x2x128xf32, #tpu.memory_space<hbm>> -> memref<32x2x128xf32, #tpu.memory_space<hbm>>
    %dma_wait3A_80 = arith.constant 0 : i32
    %dma_wait3A_81 = arith.constant 0 : i32
    %dma_wait3A_82 = arith.constant 0 : i32
    %dma_wait3A_83 = tpu.memref_slice %arg2[%add3A_33, %dma_wait3A_80, %dma_wait3A_81, %dma_wait3A_82] : memref<64x32x2x128xf32, #tpu.memory_space<hbm>> -> memref<1x32x2x128xf32, #tpu.memory_space<hbm>>
    %dma_wait3A_84 = tpu.memref_squeeze %dma_wait3A_83 : memref<1x32x2x128xf32, #tpu.memory_space<hbm>> -> memref<32x2x128xf32, #tpu.memory_space<hbm>>
    tpu.wait_dma2 semaphore(%arg11 : memref<!tpu.dma_semaphore, #tpu.memory_space<semaphore_mem>>) src(%dma_wait3A_84 : memref<32x2x128xf32, #tpu.memory_space<hbm>>) dst(%arg8 : memref<32x2x128xf32, #tpu.memory_space<vmem>>)
    %parallel_loop3A_85 = arith.constant 0 : i32
    %parallel_loop3A_86 = arith.constant 256 : i32
    %parallel_loop3A_87 = arith.constant 1 : i32
    %parallel_loop3A_88 = scf.for %parallel_loop3A_95 = %parallel_loop3A_85 to %parallel_loop3A_86 step %parallel_loop3A_87 iter_args(%parallel_loop3A_96 = %parallel_loop3A_65) -> (vector<16xf32>)  : i32 {
      %parallel_loop3A_97 = arith.constant 3 : i32
      %parallel_loop3A_98 = arith.shrsi %parallel_loop3A_95, %parallel_loop3A_97 : i32
      %parallel_loop3A_99 = arith.constant 7 : i32
      %parallel_loop3A_100 = arith.andi %parallel_loop3A_95, %parallel_loop3A_99 : i32
      %parallel_loop3A_101 = arith.constant 16 : i32
      %parallel_loop3A_102 = arith.muli %parallel_loop3A_100, %parallel_loop3A_101 : i32
      %parallel_loop3A_103 = arith.constant 0 : i32
      %parallel_loop3A_104 = arith.index_cast %parallel_loop3A_98 : i32 to index
      %parallel_loop3A_105 = arith.index_cast %parallel_loop3A_103 : i32 to index
      %parallel_loop3A_106 = arith.index_cast %parallel_loop3A_102 : i32 to index
      %parallel_loop3A_107 = tpu.vector_load %arg8[%parallel_loop3A_104, %parallel_loop3A_105, %parallel_loop3A_106] {strides = array<i32>} : memref<32x2x128xf32, #tpu.memory_space<vmem>>, vector<16xf32>,
      %parallel_loop3A_108 = arith.constant 1 : i32
      %parallel_loop3A_109 = arith.index_cast %parallel_loop3A_98 : i32 to index
      %parallel_loop3A_110 = arith.index_cast %parallel_loop3A_108 : i32 to index
      %parallel_loop3A_111 = arith.index_cast %parallel_loop3A_102 : i32 to index
      %parallel_loop3A_112 = tpu.vector_load %arg8[%parallel_loop3A_109, %parallel_loop3A_110, %parallel_loop3A_111] {strides = array<i32>} : memref<32x2x128xf32, #tpu.memory_space<vmem>>, vector<16xf32>,
      %parallel_loop3A_113 = arith.constant -9.89999961 : f32
      %parallel_loop3A_114 = arith.constant 9.89999961 : f32
      %parallel_loop3A_115 = vector.broadcast %parallel_loop3A_113 : f32 to vector<16xf32>
      %parallel_loop3A_116 = arith.maximumf %parallel_loop3A_115, %parallel_loop3A_107 : vector<16xf32>
      %parallel_loop3A_117 = vector.broadcast %parallel_loop3A_114 : f32 to vector<16xf32>
      %parallel_loop3A_118 = arith.minimumf %parallel_loop3A_117, %parallel_loop3A_116 : vector<16xf32>
      %parallel_loop3A_119 = arith.constant -9.89999961 : f32
      %parallel_loop3A_120 = arith.constant 9.89999961 : f32
      %parallel_loop3A_121 = vector.broadcast %parallel_loop3A_119 : f32 to vector<16xf32>
      %parallel_loop3A_122 = arith.maximumf %parallel_loop3A_121, %parallel_loop3A_112 : vector<16xf32>
      %parallel_loop3A_123 = vector.broadcast %parallel_loop3A_120 : f32 to vector<16xf32>
      %parallel_loop3A_124 = arith.minimumf %parallel_loop3A_123, %parallel_loop3A_122 : vector<16xf32>
      %parallel_loop3A_125 = math.absf %parallel_loop3A_107 : vector<16xf32>
      %parallel_loop3A_126 = math.absf %parallel_loop3A_112 : vector<16xf32>
      %parallel_loop3A_127 = arith.maximumf %parallel_loop3A_125, %parallel_loop3A_126 : vector<16xf32>
      %parallel_loop3A_128 = arith.constant 9.89999961 : f32
      %parallel_loop3A_129 = vector.broadcast %parallel_loop3A_128 : f32 to vector<16xf32>
      %parallel_loop3A_130 = arith.cmpf ogt, %parallel_loop3A_127, %parallel_loop3A_129 : vector<16xf32>
      %parallel_loop3A_131 = arith.constant 9.9499998 : f32
      %parallel_loop3A_132 = vector.broadcast %parallel_loop3A_131 : f32 to vector<16xf32>
      %parallel_loop3A_133 = arith.addf %parallel_loop3A_118, %parallel_loop3A_132 : vector<16xf32>
      %parallel_loop3A_134 = arith.constant 1.000000e+01 : f32
      %parallel_loop3A_135 = vector.broadcast %parallel_loop3A_134 : f32 to vector<16xf32>
      %parallel_loop3A_136 = arith.mulf %parallel_loop3A_133, %parallel_loop3A_135 : vector<16xf32>
      %parallel_loop3A_137 = arith.constant 9.9499998 : f32
      %parallel_loop3A_138 = vector.broadcast %parallel_loop3A_137 : f32 to vector<16xf32>
      %parallel_loop3A_139 = arith.addf %parallel_loop3A_124, %parallel_loop3A_138 : vector<16xf32>
      %parallel_loop3A_140 = arith.constant 1.000000e+01 : f32
      %parallel_loop3A_141 = vector.broadcast %parallel_loop3A_140 : f32 to vector<16xf32>
      %parallel_loop3A_142 = arith.mulf %parallel_loop3A_139, %parallel_loop3A_141 : vector<16xf32>
      %parallel_loop3A_143 = arith.fptosi %parallel_loop3A_136 : vector<16xf32> to vector<16xi32>
      %parallel_loop3A_144 = arith.fptosi %parallel_loop3A_142 : vector<16xf32> to vector<16xi32>
      %parallel_loop3A_145 = arith.sitofp %parallel_loop3A_143 : vector<16xi32> to vector<16xf32>
      %parallel_loop3A_146 = arith.subf %parallel_loop3A_136, %parallel_loop3A_145 : vector<16xf32>
      %parallel_loop3A_147 = arith.sitofp %parallel_loop3A_144 : vector<16xi32> to vector<16xf32>
      %parallel_loop3A_148 = arith.subf %parallel_loop3A_142, %parallel_loop3A_147 : vector<16xf32>
      %parallel_loop3A_149 = arith.constant 1 : i32
      %parallel_loop3A_150 = vector.broadcast %parallel_loop3A_149 : i32 to vector<16xi32>
      %parallel_loop3A_151 = arith.addi %parallel_loop3A_143, %parallel_loop3A_150 : vector<16xi32>
      %parallel_loop3A_152 = arith.constant 1 : i32
      %parallel_loop3A_153 = vector.broadcast %parallel_loop3A_152 : i32 to vector<16xi32>
      %parallel_loop3A_154 = arith.addi %parallel_loop3A_144, %parallel_loop3A_153 : vector<16xi32>
      %parallel_loop3A_155 = tpu.vector_load_idx %arg6[%parallel_loop3A_143, %parallel_loop3A_144] : memref<200x200xf32, #tpu.memory_space<vmem>>[vector<16xi32>, vector<16xi32>], vector<16xf32>,
      %parallel_loop3A_156 = tpu.vector_load_idx %arg6[%parallel_loop3A_151, %parallel_loop3A_144] : memref<200x200xf32, #tpu.memory_space<vmem>>[vector<16xi32>, vector<16xi32>], vector<16xf32>,
      %parallel_loop3A_157 = tpu.vector_load_idx %arg6[%parallel_loop3A_143, %parallel_loop3A_154] : memref<200x200xf32, #tpu.memory_space<vmem>>[vector<16xi32>, vector<16xi32>], vector<16xf32>,
      %parallel_loop3A_158 = tpu.vector_load_idx %arg6[%parallel_loop3A_151, %parallel_loop3A_154] : memref<200x200xf32, #tpu.memory_space<vmem>>[vector<16xi32>, vector<16xi32>], vector<16xf32>,
      %parallel_loop3A_159 = arith.subf %parallel_loop3A_156, %parallel_loop3A_155 : vector<16xf32>
      %parallel_loop3A_160 = arith.mulf %parallel_loop3A_146, %parallel_loop3A_159 : vector<16xf32>
      %parallel_loop3A_161 = arith.addf %parallel_loop3A_155, %parallel_loop3A_160 : vector<16xf32>
      %parallel_loop3A_162 = arith.subf %parallel_loop3A_158, %parallel_loop3A_157 : vector<16xf32>
      %parallel_loop3A_163 = arith.mulf %parallel_loop3A_146, %parallel_loop3A_162 : vector<16xf32>
      %parallel_loop3A_164 = arith.addf %parallel_loop3A_157, %parallel_loop3A_163 : vector<16xf32>
      %parallel_loop3A_165 = arith.subf %parallel_loop3A_164, %parallel_loop3A_161 : vector<16xf32>
      %parallel_loop3A_166 = arith.mulf %parallel_loop3A_148, %parallel_loop3A_165 : vector<16xf32>
      %parallel_loop3A_167 = arith.addf %parallel_loop3A_161, %parallel_loop3A_166 : vector<16xf32>
      %parallel_loop3A_168 = arith.constant -1.000000e+00 : f32
      %parallel_loop3A_169 = vector.broadcast %parallel_loop3A_168 : f32 to vector<16xf32>
      %parallel_loop3A_170 = arith.select %parallel_loop3A_130, %parallel_loop3A_169, %parallel_loop3A_167 : vector<16xi1>, vector<16xf32>
      %parallel_loop3A_171 = arith.constant 3.000000e-01 : f32
      %parallel_loop3A_172 = vector.broadcast %parallel_loop3A_171 : f32 to vector<16xf32>
      %parallel_loop3A_173 = arith.subf %parallel_loop3A_172, %parallel_loop3A_170 : vector<16xf32>
      %parallel_loop3A_174 = arith.constant 0.000000e+00 : f32
      %parallel_loop3A_175 = vector.broadcast %parallel_loop3A_174 : f32 to vector<16xf32>
      %parallel_loop3A_176 = arith.maximumf %parallel_loop3A_173, %parallel_loop3A_175 : vector<16xf32>
      %parallel_loop3A_177 = arith.mulf %parallel_loop3A_176, %parallel_loop3A_176 : vector<16xf32>
      %parallel_loop3A_178 = arith.addf %parallel_loop3A_96, %parallel_loop3A_177 : vector<16xf32>
      scf.yield %parallel_loop3A_178 : vector<16xf32>
    } {sc.loop_unroll_factor = 2 : i64, sc.parallel_access}
    %mul3A_89 = arith.constant 1.000000e+02 : f32
    %mul3A_90 = vector.broadcast %mul3A_89 : f32 to vector<16xf32>
    %mul3A_91 = arith.mulf %parallel_loop3A_88, %mul3A_90 : vector<16xf32>
    %swap3A = arith.constant 0 : index
    %swap3A_92 = tpu.vector_load %arg9[%swap3A] {strides = array<i32>} : memref<16xf32, #tpu.memory_space<vmem>>, vector<16xf32>,
    tpu.vector_store %arg9[%swap3A], %mul3A_91 {strides = array<i32>} : memref<16xf32, #tpu.memory_space<vmem>>, vector<16xf32>,
    %mul3A_93 = arith.constant 16 : i32
    %mul3A_94 = arith.muli %add3A, %mul3A_93 : i32
    "tpu.region"() ({
      %run_scoped3A = tpu.sem_alloc : memref<!tpu.dma_semaphore, #tpu.memory_space<semaphore_mem>>
      %dma_start3A_95 = tpu.memref_slice %arg4[%mul3A_94] : memref<512xf32, #tpu.memory_space<hbm>> -> memref<16xf32, #tpu.memory_space<hbm>>
      %dma_start3A_96 = tpu.memref_slice %arg4[%mul3A_94] : memref<512xf32, #tpu.memory_space<hbm>> -> memref<16xf32, #tpu.memory_space<hbm>>
      tpu.enqueue_dma source(%arg9 : memref<16xf32, #tpu.memory_space<vmem>>) target(%dma_start3A_96 : memref<16xf32, #tpu.memory_space<hbm>>) target_semaphore(%run_scoped3A : memref<!tpu.dma_semaphore, #tpu.memory_space<semaphore_mem>>)
      %dma_wait3A_97 = tpu.memref_slice %arg4[%mul3A_94] : memref<512xf32, #tpu.memory_space<hbm>> -> memref<16xf32, #tpu.memory_space<hbm>>
      %dma_wait3A_98 = tpu.memref_slice %arg4[%mul3A_94] : memref<512xf32, #tpu.memory_space<hbm>> -> memref<16xf32, #tpu.memory_space<hbm>>
      tpu.wait_dma2 semaphore(%run_scoped3A : memref<!tpu.dma_semaphore, #tpu.memory_space<semaphore_mem>>) src(%arg9 : memref<16xf32, #tpu.memory_space<vmem>>) dst(%dma_wait3A_98 : memref<16xf32, #tpu.memory_space<hbm>>)
      tpu.yield
    }) : () -> ()
    return
  }
}

</mosaic_0001>

<sc_bundles>
// kernel: kernel.3.cloned.1.call-start
scs
__scs_entry_jumppad:
0x0: {  	(pc) =	sbr.rel $0x88, $3  }
0x1: {  	(tag) =	ssettag $0x0;
	lr =	simm.s32 $0x1  }
0x2: {  	[smem:$0x3F9F] =	sst lr;
	_ =	strace $0xD0000000  }
0x3: {  	_ = 	snop  }
0x4: {  	_ = 	snop  }
0x5: {  	_ = 	snop  }
0x6: {  	_ = 	snop  }
0x7: {  	_ = 	snop  }
__scs_overlays_trampoline_lowered:
0x8: {  	[smem:$0x3FAE] =	sst s0  }
0x9: {  	[smem:$0x3FAF] =	sst s1  }
0xa: {  	[smem:$0x3FB0] =	sst s2  }
0xb: {  	[smem:$0x3FB1] =	sst s3  }
0xc: {  	[smem:$0x3FB2] =	sst s4  }
0xd: {  	[smem:$0x3FB3] =	sst s5  }
0xe: {  	[smem:$0x3FB4] =	sst s6  }
0xf: {  	[smem:$0x3FB5] =	sst s7  }
0x10: {  	[smem:$0x3FB6] =	sst s8  }
0x11: {  	[smem:$0x3FB7] =	sst s9;
	s0 =	simm.s32 @!p0 $0x0  }
0x12: {  	s1 =	sld [smem:$0x3F9D];
	s0 =	simm.s32 @p0 $0x1  }
0x13: {  	[smem:$0x3FB8] =	sst s0;
	s0 =	simm.s32 @!p1 $0x0  }
0x14: {  	s2 =	sld [smem:$0x3F9C];
	s0 =	simm.s32 @p1 $0x1  }
0x15: {  	[smem:$0x3FB9] =	sst s0;
	s0 =	simm.s32 @!p2 $0x0  }
0x16: {  	s3 =	sld [smem:$0x3FDB];
	s0 =	simm.s32 @p2 $0x1  }
0x17: {  	s4 =	simm.s32 $0x1BF5;
	[smem:$0x3FBB] =	sst s0  }
0x18: {  	s0 =	sld [smem:$0x3F9E];
	_ =	swait.ge [sflag:s4], $0x0  }
0x19: {  	s7 =	sld [smem:$0x3F9F]  }
0x1a: {  	s8 =	sadd.s32 $0xFFFFE003, lr  }
0x1b: {  	s9 =	sadd.s32 $0xFFFFFEF7, lr;
	s5 =	simm.s32 $0xFFFFFFFF;
	p2 =	slt.u32 s8, $0xFFFFF086  }
0x1c: {  	p1 =	slt.u32 s9, $0xF7A;
	s5 =	simm.s32 @!p2 $0x0  }
0x1d: {  	s5 =	simm.s32 @p1 $0x1;
	p0 =	seq.s32 s7, s2  }
0x1e: {  	s7 =	smul.u32 @!p0 $0xF7A, s2;
	p2 =	seq.s32 @!p0 s5, $0x0  }
0x1f: {  	s9 =	smul.u32 $0xF7A, s1;
	s8 =	simm.s32 @!p0 $0x1BF5;
	p2 =	por !p2, p0  }
0x20: {  	[sflag:s8] =	ssyncset.s32 @!p0 $0xFFFFF086;
	s6 =	sadd.s32 @!p0 s3, s7;
	s7 =	simm.s32 @!p0 $0x108  }
0x21: {  	s3 =	sadd.s32 s3, s9;
	s6 =	sadd.s32 @!p0 $0x88, s6;
	s7 =	simm.s32 @p2 $0x1082  }
0x22: {  	[simem:s7], [sflag:s8] =	dma.local @!p0 [hbm:s6], $0xF7A  }
0x23: {  	s9 =	sor.u32 $0xD0000000, s2;
	s6 =	simm.s32 $0x108;
	_ =	swait.ge @!p0 [sflag:s8], $0x0  }
0x24: {  	s3 =	sadd.s32 $0x88, s3;
	s6 =	simm.s32 @!p1 $0x1082;
	[sflag:s4] =	ssyncset.s32 $0xFFFFF086  }
0x25: {  	[simem:s6], [sflag:s4] =	dma.local [hbm:s3], $0xF7A  }
0x26: {  	[smem:$0x3F9F] =	sst s1;
	(tag) =	ssettag s2;
	_ =	strace s9  }
0x27: {  	s1 =	sld [smem:$0x3FAF]  }
0x28: {  	s2 =	sld [smem:$0x3FB0]  }
0x29: {  	s4 =	sld [smem:$0x3FB2]  }
0x2a: {  	p0 =	seq.s32 s5, $0x0;
	s5 =	sld [smem:$0x3FB3]  }
0x2b: {  	s6 =	sld [smem:$0x3FB4]  }
0x2c: {  	s7 =	sld [smem:$0x3FB5]  }
0x2d: {  	s3 =	simm.s32 $0x108;
	s8 =	sld [smem:$0x3FB6]  }
0x2e: {  	s3 =	simm.s32 @!p0 $0x1082;
	s9 =	sld [smem:$0x3FB7]  }
0x2f: {  	lr =	sadd.s32 s0, s3;
	s0 =	sld [smem:$0x3FAE]  }
0x30: {  	s3 =	sld [smem:$0x3FB1]  }
0x31: {  	[smem:$0x3FBA] =	sst s10  }
0x32: {  	s10 =	sld [smem:$0x3FB8];
	_ =	sdelay $0x3  }
0x33: {  	p0 =	seq.s32 s10, $0x1;
	s10 =	sld [smem:$0x3FBA];
	_ =	sdelay $0x3  }
0x34: {  	[smem:$0x3FBA] =	sst s10  }
0x35: {  	s10 =	sld [smem:$0x3FB9];
	_ =	sdelay $0x3  }
0x36: {  	p1 =	seq.s32 s10, $0x1;
	s10 =	sld [smem:$0x3FBA];
	_ =	sdelay $0x3  }
0x37: {  	[smem:$0x3FBA] =	sst s10  }
0x38: {  	s10 =	sld [smem:$0x3FBB]  }
0x39: {  	_ = 	snop;
	(pc) =	sbr.ind lr, $3  }
0x3a: {  	_ = 	snop  }
0x3b: {  	_ = 	snop  }
0x3c: {  	p2 =	seq.s32 s10, $0x1;
	s10 =	sld [smem:$0x3FBA]  }
0x3d: {  	_ =	shalt  }
0x3e: {  	_ =	shalt  }
0x3f: {  	_ =	shalt  }
0x40: {  	_ =	shalt  }
0x41: {  	_ =	shalt  }
0x42: {  	_ =	shalt  }
0x43: {  	_ =	shalt  }
0x44: {  	_ =	shalt  }
0x45: {  	_ =	shalt  }
0x46: {  	_ =	shalt  }
0x47: {  	_ =	shalt  }
0x48: {  	_ =	shalt  }
0x49: {  	_ =	shalt  }
0x4a: {  	_ =	shalt  }
0x4b: {  	_ =	shalt  }
0x4c: {  	_ =	shalt  }
0x4d: {  	_ =	shalt  }
0x4e: {  	_ =	shalt  }
0x4f: {  	_ =	shalt  }
0x50: {  	_ =	shalt  }
0x51: {  	_ =	shalt  }
0x52: {  	_ =	shalt  }
0x53: {  	_ =	shalt  }
0x54: {  	_ =	shalt  }
0x55: {  	_ =	shalt  }
0x56: {  	_ =	shalt  }
0x57: {  	_ =	shalt  }
0x58: {  	_ =	shalt  }
0x59: {  	_ =	shalt  }
0x5a: {  	_ =	shalt  }
0x5b: {  	_ =	shalt  }
0x5c: {  	_ =	shalt  }
0x5d: {  	_ =	shalt  }
0x5e: {  	_ =	shalt  }
0x5f: {  	_ =	shalt  }
0x60: {  	_ =	shalt  }
0x61: {  	_ =	shalt  }
0x62: {  	_ =	shalt  }
0x63: {  	_ =	shalt  }
0x64: {  	_ =	shalt  }
0x65: {  	_ =	shalt  }
0x66: {  	_ =	shalt  }
0x67: {  	_ =	shalt  }
0x68: {  	_ =	shalt  }
0x69: {  	_ =	shalt  }
0x6a: {  	_ =	shalt  }
0x6b: {  	_ =	shalt  }
0x6c: {  	_ =	shalt  }
0x6d: {  	_ =	shalt  }
0x6e: {  	_ =	shalt  }
0x6f: {  	_ =	shalt  }
0x70: {  	_ =	shalt  }
0x71: {  	_ =	shalt  }
0x72: {  	_ =	shalt  }
0x73: {  	_ =	shalt  }
0x74: {  	_ =	shalt  }
0x75: {  	_ =	shalt  }
0x76: {  	_ =	shalt  }
0x77: {  	_ =	shalt  }
0x78: {  	_ =	shalt  }
0x79: {  	_ =	shalt  }
0x7a: {  	_ =	shalt  }
0x7b: {  	_ =	shalt  }
0x7c: {  	_ =	shalt  }
0x7d: {  	_ =	shalt  }
0x7e: {  	_ =	shalt  }
0x7f: {  	_ =	shalt  }
0x80: {  	_ =	shalt  }
0x81: {  	_ =	shalt  }
0x82: {  	_ =	shalt  }
0x83: {  	_ =	shalt  }
0x84: {  	_ =	shalt  }
0x85: {  	_ =	shalt  }
0x86: {  	_ =	shalt  }
0x87: {  	_ =	shalt  }
.Lfunc_end0:
.L_simem_size_0:
called_computation_lowered:
.L_overlay_start_0:
0x88: {  	s2 =	sld [smem:$0x3FD9]  }
0x89: {  	s3 =	sld [smem:$0x3FFE];
	_ =	sdelay $0x1  }
0x8a: {  	s1 =	srdreg.scid  }
0x8b: {  	s0 =	sand.u32 $0x1, s1  }
0x8c: {  	s17 =	sshll.u32 s0, $0xA;
	s2 =	sadd.s32 s3, s2  }
0x8d: {  	s2 =	sadd.s32 s2, s17  }
0x8e: {  	[smem:$0x3FC6] =	sst s2  }
0x8f: {  	_ = 	snop  }
0x90: {  	s2 =	sld [smem:$0x3FC9]  }
0x91: {  	s18 =	sld [smem:$0x3FC8];
	(tm) =	ssettm $0x1  }
0x92: {  	s4 =	sld [smem:$0x3FFB];
	_ =	sdelay $0x3  }
0x93: {  	_ =	strace s4  }
0x94: {  	s4 =	sld [smem:$0x3FFC];
	_ =	sdelay $0x3  }
0x95: {  	_ =	strace s4  }
0x96: {  	s4 =	sld [smem:$0x3FFD];
	_ =	sdelay $0x3  }
0x97: {  	_ =	strace s4  }
0x98: {  	_ =	strace $0x8FFFFFFF  }
0x99: {  	s19 =	sld [smem:$0x3FDB];
	_ =	sdelay $0x1  }
0x9a: {  	s5 =	simm.s32 $_scs_section_size  }
0x9b: {  	s6 =	simm.s32 $_size__tile_overlayer_lowered;
	s7 =	simm.s32 $_tile_overlayer_lowered  }
0x9c: {  	s22 =	simm.s32 $0x1BFF;
	s21 =	sshll.u32 s7, $0x1;
	s4 =	sadd.s32 s5, s19  }
0x9d: {  	s8 =	simm.s32 $0x0;
	s20 =	sshll.u32 s6, $0x1;
	s6 =	sadd.s32 s21, s4  }
0x9e: {  	[timem:s8], [sflag:s22] =	dma.local [hbm:s6], s20  }
0x9f: {  	_ =	swait.ge [sflag:s22], s20  }
0xa0: {  	s5 =	ssub.s32 $0x0, s20;
	[sflag:s22] =	ssyncset.done $0x0  }
0xa1: {  	[sflag:s22] =	ssyncadd.s32 s5;
	_ =	sdelay $0x1  }
0xa2: {  	s23 =	simm.s32 $0x1B8B  }
0xa3: {  	_ =	swait.ge [sflag:s23], $0x1  }
0xa4: {  	[sflag:s23] =	ssyncset.done $0x0  }
0xa5: {  	s25 =	simm.s32 $0x1B8E;
	s24 =	sld [smem:$0x3FFE];
	[sflag:s23] =	ssyncadd.s32 $0xFFFFFFFF  }
0xa6: {  	s26 =	simm.s32 $execute0_lowered;
	[smem:$0x3FD2] =	sst s25  }
0xa7: {  	s6 =	sshll.u32 s26, $0x1;
	_ =	strace $0x80000046;
	[dreg:$0x1] =	wrdreg $0xFFFFFFFF  }
0xa8: {  	s28 =	simm.s32 $_size_execute0_lowered;
	s4 =	sadd.s32 s4, s6;
	[dreg:$0x0] =	wrdreg $0x0  }
0xa9: {  	s6 =	sshll.u32 s28, $0x1;
	[dreg:$0x2] =	wrdreg s4  }
0xaa: {  	[dreg:$0x3] =	wrdreg s6  }
0xab: {  	[dreg:$0x4] =	wrdreg $0xC0  }
0xac: {  	_ =	task [dreg:s8], $0x5FFFF  }
0xad: {  	[dreg:$0x1] =	wrdreg $0xFFFFFFFF  }
0xae: {  	[dreg:$0x0] =	wrdreg $0x60  }
0xaf: {  	[dreg:$0x2] =	wrdreg s2  }
0xb0: {  	[dreg:$0x3] =	wrdreg s18  }
0xb1: {  	[dreg:$0x4] =	wrdreg s24  }
0xb2: {  	[dreg:$0x5] =	wrdreg $0x9  }
0xb3: {  	_ =	task.clear_ibuf [dreg:s8], $0x6FFFF;
	_ =	strace $0x90000046  }
0xb4: {  	s29 =	simm.s32 $0x9;
	_ =	strace $0x80000048  }
0xb5: {  	_ =	swait.ge [sflag:s29], $0x1  }
0xb6: {  	[sflag:s29] =	ssyncadd.s32 $0xFFFFFFFF  }
0xb7: {  	_ =	strace $0x90000048  }
0xb8: {  	_ =	sfence  }
0xb9: {  	s30 =	sld [smem:$0x0];
	_ =	sdelay $0x2  }
0xba: {  	s31 =	sshll.u32 s1, $0xD;
	s1 =	sshrl.u32 s1, $0x2  }
0xbb: {  	s3 =	sand.u32 $0x4000, s31;
	s1 =	sadd.s32 s1, s30  }
0xbc: {  	s0 =	sor.u32 s3, s0;
	s1 =	sshll.u32 s1, $0x11  }
0xbd: {  	s0 =	sor.u32 s1, s0  }
0xbe: {  	s0 =	sadd.s32 $0x8F2B, s0  }
0xbf: {  	[sflag:s0] =	ssyncadd.remote.s32 $0x1  }
0xc0: {  	_ =	sfence.sel $0xFFFF  }
0xc1: {  	[dreg:$0x0] =	wrdreg $0xFFFFFFFF;
	(pc) =	sbr.abs _section_cstart, $3  }
0xc2: {  	[dreg:$0x1] =	wrdreg $0xFFFFFFFF  }
0xc3: {  	_ =	task.clear_ibuf [dreg:s8], $0x2FFFF;
	_ =	strace $0x9FFFFFFF  }
0xc4: {  	(tm) =	ssettm $0x7FFFFFFF  }
0xc5: {  	_ =	shalt  }
tec
execute0_lowered:
.L_overlay_start_1:
0x0: {  	(tag) =	ssettag $0x1  }
0x1: {  	s6 =	rddreg [dreg:$0x0]  }
0x2: {  	s5 =	rddreg [dreg:$0x1]  }
0x3: {  	s7 =	rddreg [dreg:$0x2]  }
0x4: {  	s0 =	rddreg [dreg:$0x3];
	s3 =	srdreg.scid  }
0x5: {  	s2 =	simm.s32 $0x0;
	s1 =	stileid.u32;
	s13 =	simm.s32 $0x2  }
0x6: {  	s14 =	simm.s32 $0x1D000;
	s15 =	simm.s32 $0x3;
	s16 =	simm.s32 $0x0  }
0x7: {  	s3 =	sand.u32 $0x1, s3;
	[smem:$0x7FF] =	sst s2;
	s8 =	sshll.u32 s1, $0x1  }
0x8: {  	s4 =	ssub.s32 $0x2, s3;
	_ =	strace $0x80000047;
	s3 =	sor.u32 s3, s8  }
0x9: {  	s9 =	sshrl.u32 s4, $0x1;
	s30 =	smul.u32 $0x3200, s3;
	s31 =	sshllo.u32 s3, $0x1  }
0xa: {  	s10 =	sshll.u32 s3, $0x1;
	s11 =	sshll.u32 s3, $0xB;
	s29 =	ssub.s32 s4, s9  }
0xb: {  	s12 =	smul.u32 $0x1900, s31;
	s4 =	sadd.s32 s6, s11;
	s9 =	sshll.u32 s31, $0xA  }
0xc: {  	s7 =	sadd.s32 s7, s10;
	s10 =	simm.s32 $0xC800;
	s11 =	simm.s32 $0x1B000  }
0xd: {  	s3 =	sadd.s32 s5, s30;
	s6 =	sadd.s32 s6, s9;
	s8 =	smax.u32 s29, $0x1  }
0xe: {  	s9 =	simm.s32 $0x19000;
	s5 =	sadd.s32 s5, s12;
	s12 =	simm.s32 $0x1  }
.LBB2_1:
0xf: {  	[tilespmem:s2], [sflag:$0x1] =	stream.linear.gather [hbm4b:s3+s2], $0xC800, $0x38;
	[tilespmem:$0x1D080] =	vst v63  }
0x10: {  	_ = 	snop  }
0x11: {  	[tilespmem:s9], [sflag:$0x1] =	stream.linear.gather [hbm4b:s4+s2], $0x2000, $0x38;
	[tilespmem:$0x1D080] =	vst v63  }
0x12: {  	_ = 	snop  }
0x13: {  	[tilespmem:s10], [sflag:$0x2] =	stream.linear.gather [hbm4b:s5+s2], $0xC800, $0x38;
	[tilespmem:$0x1D080] =	vst v63  }
0x14: {  	_ = 	snop  }
0x15: {  	[tilespmem:s11], [sflag:$0x2] =	stream.linear.gather [hbm4b:s6+s2], $0x2000, $0x38;
	[tilespmem:$0x1D080] =	vst v63  }
0x16: {  	_ =	swait.ge [sflag:s12], $0xC800  }
0x17: {  	[sflag:s12] =	ssyncset.done $0x0  }
0x18: {  	[sflag:s12] =	ssyncadd.s32 $0xFFFF3800  }
0x19: {  	_ =	swait.ge [sflag:s12], $0x2000  }
0x1a: {  	s17 =	sand.u32 $0x60, s2;
	s18 =	sand.u32 $0x1F00, s2;
	[sflag:s12] =	ssyncset.done $0x0  }
0x1b: {  	s17 =	sor.u32 s17, s18;
	[sflag:s12] =	ssyncadd.s32 $0xFFFFE000  }
0x1c: {  	s18 =	sadd.s32 $0x19000, s17;
	v2 =	vld [tilespmem:s17+$0x19000]  }
0x1d: {  	v6 =	vld [tilespmem:s18+$0x10]  }
0x1e: {  	v5 =	vld [tilespmem:s18+$0x90]  }
0x1f: {  	v4 =	vld [tilespmem:s18+$0x80];
	_ =	sdelay $0x3  }
0x20: {  	v0 =	vmax.f32 v2, $-9.899999610e+00;
	v1 =	vmax.f32 v6, $-9.899999610e+00  }
0x21: {  	v3 =	vmax.f32 v5, $-9.899999610e+00;
	v7 =	vmax.f32 v4, $-9.899999610e+00;
	v0 =	vmin.f32 v0, $9.899999610e+00  }
0x22: {  	v1 =	vmin.f32 v1, $9.899999610e+00;
	v3 =	vmin.f32 v3, $9.899999610e+00;
	v0 =	vadd.f32 $9.949999800e+00, v0  }
0x23: {  	v7 =	vmin.f32 v7, $9.899999610e+00;
	v1 =	vadd.f32 $9.949999800e+00, v1;
	v3 =	vadd.f32 $9.949999800e+00, v3  }
0x24: {  	v9 =	vadd.f32 $9.949999800e+00, v7;
	v8 =	vmul.f32 $1.000000000e+01, v0  }
0x25: {  	v7 =	vmul.f32 $1.000000000e+01, v1;
	v0 =	vmul.f32 $1.000000000e+01, v3  }
0x26: {  	v1 =	vmul.f32 $1.000000000e+01, v9;
	v3 =	vtrunc.f32 v8  }
0x27: {  	v12 =	vtrunc.f32 v7;
	v9 =	vtrunc.f32 v0  }
0x28: {  	v10 =	vtrunc.f32 v1;
	v11 =	vcvt.f32.s32 v3  }
0x29: {  	v3 =	vimm.f32 $0.0e+00;
	v10 =	vcvt.f32.s32 v10;
	v9 =	vcvt.f32.s32 v9  }
0x2a: {  	v12 =	vcvt.f32.s32 v12;
	v14 =	vshll.u32 v11, $0x7;
	v16 =	vadd.s32 $0x1, v11  }
0x2b: {  	v17 =	vshll.u32 v11, $0x8;
	v13 =	vand.u32 $0x7F, v9;
	v15 =	vand.u32 $0x7F, v10  }
0x2c: {  	v20 =	vshll.u32 v12, $0x8;
	v19 =	vshll.u32 v12, $0x7;
	v22 =	vshll.u32 v9, $0x3  }
0x2d: {  	v23 =	vadd.s32 $0x1, v12;
	v24 =	vshll.u32 v10, $0x3;
	v25 =	vadd.s32 $0x1, v9  }
0x2e: {  	v29 =	vadd.s32 $0x1, v10;
	v14 =	vand.u32 $0x380, v14;
	v18 =	vand.u32 $0xFFFFF800, v17  }
0x2f: {  	v21 =	vshll.u32 v16, $0x7;
	v28 =	vshll.u32 v16, $0x8;
	v17 =	vand.u32 $0x380, v19  }
0x30: {  	v16 =	vand.u32 $0x7F, v25;
	v19 =	vand.u32 $0x7F, v29;
	v20 =	vand.u32 $0xFFFFF800, v20  }
0x31: {  	v26 =	vand.u32 $0xFFFFFC00, v22;
	v22 =	vshll.u32 v23, $0x7;
	v27 =	vand.u32 $0xFFFFFC00, v24  }
0x32: {  	v23 =	vshll.u32 v23, $0x8;
	v24 =	vshll.u32 v25, $0x3;
	v21 =	vand.u32 $0x380, v21  }
0x33: {  	v25 =	vand.u32 $0xFFFFF800, v28;
	v28 =	vshll.u32 v29, $0x3;
	v29 =	vadd.s32 v20, v26  }
0x34: {  	s19 =	simm.s32 $0x20;
	s17 =	simm.s32 $0x0;
	s18 =	simm.s32 $0x40;
	v23 =	vand.u32 $0xFFFFF800, v23;
	v22 =	vand.u32 $0x380, v22;
	v24 =	vand.u32 $0xFFFFFC00, v24  }
.LBB2_2:
0x35: {  	s20 =	sand.u32 $0x60, s19;
	s21 =	sand.u32 $0x1F00, s18;
	v30 =	vadd.s32 v18, v27;
	v27 =	vadd.s32 v27, v25;
	v29 =	vor.u32 v17, v29  }
0x36: {  	v28 =	vand.u32 $0xFFFFFC00, v28;
	s20 =	sor.u32 s20, s21;
	v30 =	vor.u32 v14, v30;
	v29 =	vor.u32 v13, v29  }
0x37: {  	v26 =	vadd.s32 v26, v23;
	v27 =	vor.u32 v21, v27;
	s21 =	sadd.s32 $0x19000, s20;
	v31 =	vld [tilespmem:s20+$0x19000];
	v30 =	vor.u32 v15, v30  }
0x38: {  	v18 =	vadd.s32 v18, v28;
	v26 =	vor.u32 v22, v26;
	v15 =	vor.u32 v15, v27;
	v32 =	vld [tilespmem:s21+$0x10]  }
0x39: {  	v14 =	vor.u32 v14, v18;
	v18 =	vadd.s32 v25, v28;
	v13 =	vor.u32 v13, v26;
	v27 =	vld [tilespmem:s21+$0x90]  }
0x3a: {  	v20 =	vadd.s32 v20, v24;
	v14 =	vor.u32 v19, v14;
	v18 =	vor.u32 v21, v18;
	v25 =	vld [tilespmem:s21+$0x80]  }
0x3b: {  	v17 =	vor.u32 v17, v20;
	v20 =	vadd.s32 v23, v24;
	v18 =	vor.u32 v19, v18;
	v19 =	vld.idx.msk [tilespmem:v29+s2+$0x0], $0xffff  }
0x3c: {  	v17 =	vor.u32 v16, v17;
	v20 =	vor.u32 v22, v20;
	v21 =	vld.idx.msk [tilespmem:v30+s2+$0x0], $0xffff  }
0x3d: {  	v22 =	vand.u32 $0x7FFFFFFF, v2;
	v16 =	vor.u32 v16, v20;
	v2 =	vmov v31;
	v15 =	vld.idx.msk [tilespmem:v15+s2+$0x0], $0xffff  }
0x3e: {  	v23 =	vand.u32 $0x7FFFFFFF, v6;
	v24 =	vand.u32 $0x7FFFFFFF, v5;
	v20 =	vmax.f32 v2, $-9.899999610e+00;
	v6 =	vmovc v32;
	v13 =	vld.idx.msk [tilespmem:v13+s2+$0x0], $0xffff;
	v5 =	vmovc v27  }
0x3f: {  	v20 =	vmin.f32 v20, $9.899999610e+00;
	v26 =	vmax.f32 v6, $-9.899999610e+00;
	v27 =	vmax.f32 v5, $-9.899999610e+00;
	v14 =	vld.idx.msk [tilespmem:v14+s2+$0x0], $0xffff  }
0x40: {  	v28 =	vmax.f32 v25, $-9.899999610e+00;
	v20 =	vadd.f32 $9.949999800e+00, v20;
	v26 =	vmin.f32 v26, $9.899999610e+00;
	v18 =	vld.idx.msk [tilespmem:v18+s2+$0x0], $0xffff  }
0x41: {  	v28 =	vmin.f32 v28, $9.899999610e+00;
	v27 =	vmin.f32 v27, $9.899999610e+00;
	v26 =	vadd.f32 $9.949999800e+00, v26;
	v17 =	vld.idx.msk [tilespmem:v17+s2+$0x0], $0xffff  }
0x42: {  	v20 =	vmul.f32 $1.000000000e+01, v20;
	v28 =	vadd.f32 $9.949999800e+00, v28;
	v27 =	vadd.f32 $9.949999800e+00, v27;
	v16 =	vld.idx.msk [tilespmem:v16+s2+$0x0], $0xffff  }
0x43: {  	v11 =	vcvt.s32.f32 v11;
	v29 =	vand.u32 $0x7FFFFFFF, v4;
	v4 =	vmovc v25;
	v26 =	vmul.f32 $1.000000000e+01, v26  }
0x44: {  	v23 =	vmax.f32 v23, v24;
	v25 =	vmul.f32 $1.000000000e+01, v28;
	v27 =	vmul.f32 $1.000000000e+01, v27  }
0x45: {  	v12 =	vcvt.s32.f32 v12;
	v11 =	vsub.f32 v8, v11;
	v24 =	vtrunc.f32 v20;
	v8 =	vmovc v20  }
0x46: {  	v15 =	vsub.f32 v15, v21;
	v20 =	vtrunc.f32 v26;
	v18 =	vsub.f32 v18, v14  }
0x47: {  	v12 =	vsub.f32 v7, v12;
	v13 =	vsub.f32 v13, v19;
	v7 =	vmovc v26;
	v28 =	vtrunc.f32 v27  }
0x48: {  	v15 =	vmul.f32 v11, v15;
	v11 =	vmul.f32 v11, v18;
	v16 =	vsub.f32 v16, v17  }
0x49: {  	v10 =	vcvt.s32.f32 v10;
	v13 =	vmul.f32 v12, v13;
	v18 =	vmax.f32 v22, v29  }
0x4a: {  	v15 =	vadd.f32 v15, v21;
	v14 =	vadd.f32 v11, v14;
	v12 =	vmul.f32 v12, v16  }
0x4b: {  	v10 =	vsub.f32 v1, v10;
	v1 =	vmovc v25;
	v11 =	vcvt.f32.s32 v24;
	v16 =	vadd.f32 v13, v19  }
0x4c: {  	v9 =	vcvt.s32.f32 v9;
	v13 =	vsub.f32 v14, v15;
	v14 =	vadd.f32 v12, v17  }
0x4d: {  	vm0 =	vgt.f32 v23, $9.899999610e+00;
	v17 =	vtrunc.f32 v1;
	v12 =	vcvt.f32.s32 v20  }
0x4e: {  	v19 =	vsub.f32 v0, v9;
	v0 =	vmovc v27;
	v13 =	vmul.f32 v13, v10;
	v14 =	vsub.f32 v14, v16  }
0x4f: {  	s17 =	sadd.s32 $0x2, s17;
	vm1 =	vgt.f32 v18, $9.899999610e+00;
	v9 =	vcvt.f32.s32 v28;
	v10 =	vcvt.f32.s32 v17  }
0x50: {  	p0 =	slt.u32 s17, $0xFE;
	v17 =	vshll.u32 v11, $0x7;
	v18 =	vadd.f32 v13, v15;
	v14 =	vmul.f32 v14, v19  }
0x51: {  	v20 =	vshll.u32 v11, $0x8;
	v19 =	vadd.s32 $0x1, v11;
	v13 =	vand.u32 $0x7F, v9  }
0x52: {  	v15 =	vand.u32 $0x7F, v10;
	v18 =	vsub.f32 $3.000000120e-01, v18;
	v16 =	vadd.f32 v14, v16  }
0x53: {  	v21 =	vshll.u32 v12, $0x8;
	v14 =	vand.u32 $0x380, v17;
	v17 =	vshll.u32 v12, $0x7  }
0x54: {  	v22 =	vshll.u32 v9, $0x3;
	v23 =	vmax.f32 v18, $0.0e+00;
	v16 =	vsub.f32 $3.000000120e-01, v16  }
0x55: {  	v24 =	vshll.u32 v19, $0x7;
	v18 =	vand.u32 $0xFFFFF800, v20;
	v20 =	vsel vm1, $0x3FA66666, v23  }
0x56: {  	v23 =	vadd.s32 $0x1, v12;
	v20 =	vmul.f32 v20, v20;
	v16 =	vmax.f32 v16, $0.0e+00  }
0x57: {  	v28 =	vadd.s32 $0x1, v9;
	v25 =	vshll.u32 v10, $0x3;
	v16 =	vsel vm0, $0x3FA66666, v16  }
0x58: {  	v29 =	vshll.u32 v19, $0x8;
	v3 =	vadd.f32 v20, v3;
	v26 =	vmul.f32 v16, v16  }
0x59: {  	v30 =	vadd.s32 $0x1, v10;
	v17 =	vand.u32 $0x380, v17;
	v16 =	vand.u32 $0x7F, v28  }
.Ltmp0:
0x5a: {  	v19 =	vand.u32 $0x7F, v30;
	v20 =	vand.u32 $0xFFFFF800, v21;
	v3 =	vadd.f32 v26, v3;
	(pc) =	sbr.rel @p0 .LBB2_2-.Ltmp0, $4  }
0x5b: {  	v21 =	vand.u32 $0x380, v24;
	v26 =	vand.u32 $0xFFFFFC00, v22;
	v22 =	vshll.u32 v23, $0x7  }
0x5c: {  	v27 =	vand.u32 $0xFFFFFC00, v25;
	v24 =	vshll.u32 v28, $0x3;
	v23 =	vshll.u32 v23, $0x8  }
0x5d: {  	v25 =	vand.u32 $0xFFFFF800, v29;
	v28 =	vshll.u32 v30, $0x3;
	v29 =	vadd.s32 v20, v26  }
0x5e: {  	s18 =	sadd.s32 $0x40, s18;
	s19 =	sadd.s32 $0x20, s19;
	v24 =	vand.u32 $0xFFFFFC00, v24;
	v23 =	vand.u32 $0xFFFFF800, v23;
	v22 =	vand.u32 $0x380, v22  }
0x5f: {  	v30 =	vadd.s32 v18, v27;
	v27 =	vadd.s32 v27, v25  }
0x60: {  	v29 =	vor.u32 v17, v29;
	v28 =	vand.u32 $0xFFFFFC00, v28;
	v26 =	vadd.s32 v26, v23  }
0x61: {  	v20 =	vadd.s32 v20, v24;
	v30 =	vor.u32 v14, v30;
	v29 =	vor.u32 v13, v29  }
0x62: {  	v27 =	vor.u32 v21, v27;
	v18 =	vadd.s32 v18, v28;
	v30 =	vor.u32 v15, v30  }
0x63: {  	v26 =	vor.u32 v22, v26;
	v17 =	vor.u32 v17, v20;
	v15 =	vor.u32 v15, v27  }
0x64: {  	v14 =	vor.u32 v14, v18;
	v18 =	vadd.s32 v25, v28;
	v13 =	vor.u32 v13, v26  }
0x65: {  	v17 =	vor.u32 v16, v17;
	v18 =	vor.u32 v21, v18  }
0x66: {  	v20 =	vadd.s32 v23, v24;
	v14 =	vor.u32 v19, v14;
	v18 =	vor.u32 v19, v18;
	v19 =	vld.idx.msk [tilespmem:v29+s2+$0x0], $0xffff  }
0x67: {  	v20 =	vor.u32 v22, v20;
	v21 =	vld.idx.msk [tilespmem:v30+s2+$0x0], $0xffff  }
0x68: {  	v16 =	vor.u32 v16, v20;
	v15 =	vld.idx.msk [tilespmem:v15+s2+$0x0], $0xffff  }
0x69: {  	v13 =	vld.idx.msk [tilespmem:v13+s2+$0x0], $0xffff  }
0x6a: {  	v17 =	vld.idx.msk [tilespmem:v17+s2+$0x0], $0xffff  }
0x6b: {  	v14 =	vld.idx.msk [tilespmem:v14+s2+$0x0], $0xffff  }
0x6c: {  	v18 =	vld.idx.msk [tilespmem:v18+s2+$0x0], $0xffff  }
0x6d: {  	v16 =	vld.idx.msk [tilespmem:v16+s2+$0x0], $0xffff  }
0x6e: {  	v11 =	vcvt.s32.f32 v11;
	v12 =	vcvt.s32.f32 v12;
	_ =	sdelay $0x1  }
0x6f: {  	v8 =	vsub.f32 v8, v11;
	v7 =	vsub.f32 v7, v12  }
0x70: {  	v11 =	vsub.f32 v15, v21;
	v15 =	vsub.f32 v18, v14  }
0x71: {  	v12 =	vsub.f32 v13, v19;
	v13 =	vsub.f32 v16, v17  }
0x72: {  	v11 =	vmul.f32 v8, v11;
	v8 =	vmul.f32 v8, v15  }
0x73: {  	_ =	swait.ge [sflag:s13], $0xC800;
	v12 =	vmul.f32 v7, v12;
	v7 =	vmul.f32 v7, v13  }
0x74: {  	v10 =	vcvt.s32.f32 v10;
	[sflag:s13] =	ssyncset.done $0x0;
	v11 =	vadd.f32 v11, v21;
	v8 =	vadd.f32 v8, v14  }
0x75: {  	v9 =	vcvt.s32.f32 v9;
	s17 =	simm.s32 $0x0;
	[sflag:s13] =	ssyncadd.s32 $0xFFFF3800;
	v12 =	vadd.f32 v12, v19;
	v7 =	vadd.f32 v7, v17  }
0x76: {  	s18 =	sand.u32 $0x60, s17;
	s17 =	sand.u32 $0x1F00, s17;
	v1 =	vsub.f32 v1, v10;
	_ =	swait.ge [sflag:s13], $0x2000;
	v8 =	vsub.f32 v8, v11  }
0x77: {  	v0 =	vsub.f32 v0, v9;
	s17 =	sor.u32 s18, s17;
	[sflag:s13] =	ssyncset.done $0x0;
	v7 =	vsub.f32 v7, v12  }
0x78: {  	s18 =	sadd.s32 $0x1B000, s17;
	[sflag:s13] =	ssyncadd.s32 $0xFFFFE000;
	v8 =	vmul.f32 v8, v1  }
0x79: {  	v10 =	vand.u32 $0x7FFFFFFF, v4;
	v4 =	vld [tilespmem:s18+$0x80];
	v7 =	vmul.f32 v7, v0  }
0x7a: {  	v9 =	vand.u32 $0x7FFFFFFF, v2;
	v2 =	vld [tilespmem:s18+$0x90];
	v8 =	vadd.f32 v8, v11  }
0x7b: {  	v6 =	vand.u32 $0x7FFFFFFF, v6;
	v5 =	vand.u32 $0x7FFFFFFF, v5;
	v1 =	vld [tilespmem:s17+$0x1B000];
	v7 =	vadd.f32 v7, v12  }
0x7c: {  	v5 =	vmax.f32 v6, v5;
	v0 =	vld [tilespmem:s18+$0x10];
	v8 =	vsub.f32 $3.000000120e-01, v8  }
0x7d: {  	vm0 =	vgt.f32 v5, $9.899999610e+00;
	v6 =	vmax.f32 v9, v10;
	v7 =	vsub.f32 $3.000000120e-01, v7  }
0x7e: {  	vm1 =	vgt.f32 v6, $9.899999610e+00;
	v10 =	vmax.f32 v4, $-9.899999610e+00;
	v5 =	vmax.f32 v8, $0.0e+00  }
0x7f: {  	v6 =	vmax.f32 v7, $0.0e+00;
	v8 =	vmax.f32 v2, $-9.899999610e+00;
	v5 =	vsel vm1, $0x3FA66666, v5  }
0x80: {  	v7 =	vmax.f32 v1, $-9.899999610e+00;
	v8 =	vmin.f32 v8, $9.899999610e+00;
	v9 =	vmul.f32 v5, v5  }
0x81: {  	v5 =	vsel vm0, $0x3FA66666, v6;
	v6 =	vmin.f32 v7, $9.899999610e+00;
	v7 =	vmax.f32 v0, $-9.899999610e+00  }
0x82: {  	v11 =	vadd.f32 $9.949999800e+00, v8;
	v6 =	vadd.f32 $9.949999800e+00, v6;
	v7 =	vmin.f32 v7, $9.899999610e+00  }
0x83: {  	v10 =	vmin.f32 v10, $9.899999610e+00;
	v12 =	vmul.f32 v5, v5;
	v7 =	vadd.f32 $9.949999800e+00, v7  }
0x84: {  	v5 =	vmul.f32 $1.000000000e+01, v11;
	v8 =	vmul.f32 $1.000000000e+01, v6;
	v6 =	vadd.f32 $9.949999800e+00, v10  }
0x85: {  	v7 =	vmul.f32 $1.000000000e+01, v7  }
0x86: {  	v3 =	vadd.f32 v9, v3;
	v9 =	vtrunc.f32 v5;
	v6 =	vmul.f32 $1.000000000e+01, v6  }
0x87: {  	v10 =	vtrunc.f32 v8;
	v9 =	vcvt.f32.s32 v9  }
0x88: {  	v13 =	vtrunc.f32 v7;
	v11 =	vcvt.f32.s32 v10  }
0x89: {  	v3 =	vadd.f32 v12, v3;
	v10 =	vtrunc.f32 v6;
	v12 =	vcvt.f32.s32 v13  }
0x8a: {  	v13 =	vand.u32 $0x7F, v9;
	v22 =	vshll.u32 v9, $0x3;
	v25 =	vadd.s32 $0x1, v9  }
0x8b: {  	v10 =	vcvt.f32.s32 v10;
	v14 =	vshll.u32 v11, $0x7;
	v16 =	vadd.s32 $0x1, v11  }
0x8c: {  	v17 =	vshll.u32 v11, $0x8;
	v26 =	vand.u32 $0xFFFFFC00, v22;
	v14 =	vand.u32 $0x380, v14  }
0x8d: {  	v20 =	vshll.u32 v12, $0x8;
	v19 =	vshll.u32 v12, $0x7;
	v18 =	vand.u32 $0xFFFFF800, v17  }
0x8e: {  	v21 =	vshll.u32 v16, $0x7;
	v23 =	vadd.s32 $0x1, v12;
	v28 =	vshll.u32 v16, $0x8  }
0x8f: {  	v16 =	vand.u32 $0x7F, v25;
	v15 =	vand.u32 $0x7F, v10;
	v24 =	vshll.u32 v10, $0x3  }
0x90: {  	v29 =	vadd.s32 $0x1, v10;
	v17 =	vand.u32 $0x380, v19;
	v20 =	vand.u32 $0xFFFFF800, v20  }
0x91: {  	v21 =	vand.u32 $0x380, v21;
	v22 =	vshll.u32 v23, $0x7;
	v23 =	vshll.u32 v23, $0x8  }
0x92: {  	v19 =	vand.u32 $0x7F, v29;
	v27 =	vand.u32 $0xFFFFFC00, v24;
	v24 =	vshll.u32 v25, $0x3  }
0x93: {  	v25 =	vand.u32 $0xFFFFF800, v28;
	v28 =	vshll.u32 v29, $0x3;
	v29 =	vadd.s32 v20, v26  }
0x94: {  	s19 =	simm.s32 $0x20;
	s18 =	simm.s32 $0x40;
	s17 =	simm.s32 $0x0;
	v23 =	vand.u32 $0xFFFFF800, v23;
	v22 =	vand.u32 $0x380, v22;
	v24 =	vand.u32 $0xFFFFFC00, v24  }
.LBB2_4:
0x95: {  	s20 =	sand.u32 $0x60, s19;
	s21 =	sand.u32 $0x1F00, s18;
	v30 =	vadd.s32 v18, v27;
	v27 =	vadd.s32 v27, v25;
	v29 =	vor.u32 v17, v29  }
0x96: {  	v28 =	vand.u32 $0xFFFFFC00, v28;
	s20 =	sor.u32 s20, s21;
	v30 =	vor.u32 v14, v30;
	v29 =	vor.u32 v13, v29  }
0x97: {  	v26 =	vadd.s32 v26, v23;
	v27 =	vor.u32 v21, v27;
	s21 =	sadd.s32 $0x1B000, s20;
	v31 =	vld [tilespmem:s20+$0x1B000];
	v30 =	vor.u32 v15, v30  }
0x98: {  	v18 =	vadd.s32 v18, v28;
	v26 =	vor.u32 v22, v26;
	v15 =	vor.u32 v15, v27;
	v32 =	vld [tilespmem:s21+$0x10]  }
0x99: {  	v14 =	vor.u32 v14, v18;
	v18 =	vadd.s32 v25, v28;
	v13 =	vor.u32 v13, v26;
	v27 =	vld [tilespmem:s21+$0x90]  }
0x9a: {  	v20 =	vadd.s32 v20, v24;
	v14 =	vor.u32 v19, v14;
	v18 =	vor.u32 v21, v18;
	v25 =	vld [tilespmem:s21+$0x80]  }
0x9b: {  	v17 =	vor.u32 v17, v20;
	v20 =	vadd.s32 v23, v24;
	v18 =	vor.u32 v19, v18;
	v19 =	vld.idx.msk [tilespmem:v29+s10+$0x0], $0xffff  }
0x9c: {  	v17 =	vor.u32 v16, v17;
	v20 =	vor.u32 v22, v20;
	v21 =	vld.idx.msk [tilespmem:v30+s10+$0x0], $0xffff  }
0x9d: {  	v22 =	vand.u32 $0x7FFFFFFF, v1;
	v16 =	vor.u32 v16, v20;
	v1 =	vmov v31;
	v15 =	vld.idx.msk [tilespmem:v15+s10+$0x0], $0xffff  }
0x9e: {  	v23 =	vand.u32 $0x7FFFFFFF, v0;
	v24 =	vand.u32 $0x7FFFFFFF, v2;
	v20 =	vmax.f32 v1, $-9.899999610e+00;
	v0 =	vmovc v32;
	v13 =	vld.idx.msk [tilespmem:v13+s10+$0x0], $0xffff;
	v2 =	vmovc v27  }
0x9f: {  	v20 =	vmin.f32 v20, $9.899999610e+00;
	v26 =	vmax.f32 v0, $-9.899999610e+00;
	v27 =	vmax.f32 v2, $-9.899999610e+00;
	v14 =	vld.idx.msk [tilespmem:v14+s10+$0x0], $0xffff  }
0xa0: {  	v28 =	vmax.f32 v25, $-9.899999610e+00;
	v20 =	vadd.f32 $9.949999800e+00, v20;
	v26 =	vmin.f32 v26, $9.899999610e+00;
	v18 =	vld.idx.msk [tilespmem:v18+s10+$0x0], $0xffff  }
0xa1: {  	v28 =	vmin.f32 v28, $9.899999610e+00;
	v27 =	vmin.f32 v27, $9.899999610e+00;
	v26 =	vadd.f32 $9.949999800e+00, v26;
	v17 =	vld.idx.msk [tilespmem:v17+s10+$0x0], $0xffff  }
0xa2: {  	v20 =	vmul.f32 $1.000000000e+01, v20;
	v28 =	vadd.f32 $9.949999800e+00, v28;
	v27 =	vadd.f32 $9.949999800e+00, v27;
	v16 =	vld.idx.msk [tilespmem:v16+s10+$0x0], $0xffff  }
0xa3: {  	v11 =	vcvt.s32.f32 v11;
	v29 =	vand.u32 $0x7FFFFFFF, v4;
	v4 =	vmovc v25;
	v26 =	vmul.f32 $1.000000000e+01, v26  }
0xa4: {  	v23 =	vmax.f32 v23, v24;
	v25 =	vmul.f32 $1.000000000e+01, v28;
	v27 =	vmul.f32 $1.000000000e+01, v27  }
0xa5: {  	v12 =	vcvt.s32.f32 v12;
	v11 =	vsub.f32 v8, v11;
	v24 =	vtrunc.f32 v20;
	v8 =	vmovc v20  }
0xa6: {  	v15 =	vsub.f32 v15, v21;
	v20 =	vtrunc.f32 v26;
	v18 =	vsub.f32 v18, v14  }
0xa7: {  	v12 =	vsub.f32 v7, v12;
	v13 =	vsub.f32 v13, v19;
	v7 =	vmovc v26;
	v28 =	vtrunc.f32 v27  }
0xa8: {  	v15 =	vmul.f32 v11, v15;
	v11 =	vmul.f32 v11, v18;
	v16 =	vsub.f32 v16, v17  }
0xa9: {  	v10 =	vcvt.s32.f32 v10;
	v13 =	vmul.f32 v12, v13;
	v18 =	vmax.f32 v22, v29  }
0xaa: {  	v15 =	vadd.f32 v15, v21;
	v14 =	vadd.f32 v11, v14;
	v12 =	vmul.f32 v12, v16  }
0xab: {  	v10 =	vsub.f32 v6, v10;
	v6 =	vmovc v25;
	v11 =	vcvt.f32.s32 v24;
	v16 =	vadd.f32 v13, v19  }
0xac: {  	v9 =	vcvt.s32.f32 v9;
	v13 =	vsub.f32 v14, v15;
	v14 =	vadd.f32 v12, v17  }
0xad: {  	vm0 =	vgt.f32 v23, $9.899999610e+00;
	v17 =	vtrunc.f32 v6;
	v12 =	vcvt.f32.s32 v20  }
0xae: {  	v19 =	vsub.f32 v5, v9;
	v5 =	vmovc v27;
	v13 =	vmul.f32 v13, v10;
	v14 =	vsub.f32 v14, v16  }
0xaf: {  	s17 =	sadd.s32 $0x2, s17;
	vm1 =	vgt.f32 v18, $9.899999610e+00;
	v9 =	vcvt.f32.s32 v28;
	v10 =	vcvt.f32.s32 v17  }
0xb0: {  	p0 =	slt.u32 s17, $0xFE;
	v17 =	vshll.u32 v11, $0x7;
	v18 =	vadd.f32 v13, v15;
	v14 =	vmul.f32 v14, v19  }
0xb1: {  	v20 =	vshll.u32 v11, $0x8;
	v19 =	vadd.s32 $0x1, v11;
	v13 =	vand.u32 $0x7F, v9  }
0xb2: {  	v15 =	vand.u32 $0x7F, v10;
	v18 =	vsub.f32 $3.000000120e-01, v18;
	v16 =	vadd.f32 v14, v16  }
0xb3: {  	v21 =	vshll.u32 v12, $0x8;
	v14 =	vand.u32 $0x380, v17;
	v17 =	vshll.u32 v12, $0x7  }
0xb4: {  	v22 =	vshll.u32 v9, $0x3;
	v23 =	vmax.f32 v18, $0.0e+00;
	v16 =	vsub.f32 $3.000000120e-01, v16  }
0xb5: {  	v24 =	vshll.u32 v19, $0x7;
	v18 =	vand.u32 $0xFFFFF800, v20;
	v20 =	vsel vm1, $0x3FA66666, v23  }
0xb6: {  	v23 =	vadd.s32 $0x1, v12;
	v20 =	vmul.f32 v20, v20;
	v16 =	vmax.f32 v16, $0.0e+00  }
0xb7: {  	v28 =	vadd.s32 $0x1, v9;
	v25 =	vshll.u32 v10, $0x3;
	v16 =	vsel vm0, $0x3FA66666, v16  }
0xb8: {  	v29 =	vshll.u32 v19, $0x8;
	v3 =	vadd.f32 v20, v3;
	v26 =	vmul.f32 v16, v16  }
0xb9: {  	v30 =	vadd.s32 $0x1, v10;
	v17 =	vand.u32 $0x380, v17;
	v16 =	vand.u32 $0x7F, v28  }
.Ltmp1:
0xba: {  	v19 =	vand.u32 $0x7F, v30;
	v20 =	vand.u32 $0xFFFFF800, v21;
	v3 =	vadd.f32 v26, v3;
	(pc) =	sbr.rel @p0 .LBB2_4-.Ltmp1, $4  }
0xbb: {  	v21 =	vand.u32 $0x380, v24;
	v26 =	vand.u32 $0xFFFFFC00, v22;
	v22 =	vshll.u32 v23, $0x7  }
0xbc: {  	v27 =	vand.u32 $0xFFFFFC00, v25;
	v24 =	vshll.u32 v28, $0x3;
	v23 =	vshll.u32 v23, $0x8  }
0xbd: {  	v25 =	vand.u32 $0xFFFFF800, v29;
	v28 =	vshll.u32 v30, $0x3;
	v29 =	vadd.s32 v20, v26  }
0xbe: {  	s18 =	sadd.s32 $0x40, s18;
	s19 =	sadd.s32 $0x20, s19;
	v24 =	vand.u32 $0xFFFFFC00, v24;
	v23 =	vand.u32 $0xFFFFF800, v23;
	v22 =	vand.u32 $0x380, v22  }
0xbf: {  	v30 =	vadd.s32 v18, v27;
	v43 =	vadd.s32 v27, v25;
	v29 =	vor.u32 v17, v29  }
0xc0: {  	v28 =	vand.u32 $0xFFFFFC00, v28;
	v30 =	vor.u32 v14, v30;
	v29 =	vor.u32 v13, v29  }
0xc1: {  	v26 =	vadd.s32 v26, v23;
	v27 =	vor.u32 v21, v43;
	v30 =	vor.u32 v15, v30  }
0xc2: {  	v45 =	vadd.s32 v18, v28;
	v26 =	vor.u32 v22, v26;
	v44 =	vor.u32 v15, v27  }
0xc3: {  	v47 =	vadd.s32 v25, v28;
	v46 =	vor.u32 v14, v45;
	v48 =	vor.u32 v13, v26  }
0xc4: {  	v20 =	vadd.s32 v20, v24;
	v18 =	vor.u32 v21, v47;
	v14 =	vor.u32 v19, v46  }
0xc5: {  	v51 =	vadd.s32 v23, v24;
	v50 =	vor.u32 v17, v20;
	v18 =	vor.u32 v19, v18;
	v49 =	vld.idx.msk [tilespmem:v29+s10+$0x0], $0xffff  }
0xc6: {  	v20 =	vor.u32 v22, v51;
	v17 =	vor.u32 v16, v50;
	v52 =	vld.idx.msk [tilespmem:v30+s10+$0x0], $0xffff  }
0xc7: {  	v53 =	vor.u32 v16, v20;
	v15 =	vld.idx.msk [tilespmem:v44+s10+$0x0], $0xffff  }
0xc8: {  	v13 =	vld.idx.msk [tilespmem:v48+s10+$0x0], $0xffff  }
0xc9: {  	v14 =	vld.idx.msk [tilespmem:v14+s10+$0x0], $0xffff  }
0xca: {  	v18 =	vld.idx.msk [tilespmem:v18+s10+$0x0], $0xffff  }
0xcb: {  	v17 =	vld.idx.msk [tilespmem:v17+s10+$0x0], $0xffff  }
0xcc: {  	v11 =	vcvt.s32.f32 v11;
	v16 =	vld.idx.msk [tilespmem:v53+s10+$0x0], $0xffff;
	_ =	sdelay $0x1  }
0xcd: {  	v54 =	vcvt.s32.f32 v12;
	v8 =	vsub.f32 v8, v11  }
0xce: {  	v55 =	vsub.f32 v15, v52;
	v56 =	vsub.f32 v18, v14  }
0xcf: {  	v7 =	vsub.f32 v7, v54;
	v57 =	vsub.f32 v13, v49  }
0xd0: {  	v58 =	vsub.f32 v16, v17;
	v12 =	vmul.f32 v8, v55;
	v8 =	vmul.f32 v8, v56  }
0xd1: {  	v10 =	vcvt.s32.f32 v10;
	v11 =	vmul.f32 v7, v57  }
0xd2: {  	v7 =	vmul.f32 v7, v58;
	v12 =	vadd.f32 v12, v52;
	v8 =	vadd.f32 v8, v14  }
0xd3: {  	v6 =	vsub.f32 v6, v10;
	v59 =	vadd.f32 v11, v49  }
0xd4: {  	v9 =	vcvt.s32.f32 v9;
	v7 =	vadd.f32 v7, v17;
	v8 =	vsub.f32 v8, v12;
	_ =	sdelay $0x1  }
0xd5: {  	v5 =	vsub.f32 v5, v9;
	v7 =	vsub.f32 v7, v59;
	v6 =	vmul.f32 v8, v6;
	_ =	sdelay $0x1  }
0xd6: {  	v5 =	vmul.f32 v7, v5;
	v6 =	vadd.f32 v6, v12  }
0xd7: {  	v1 =	vand.u32 $0x7FFFFFFF, v1  }
0xd8: {  	v4 =	vand.u32 $0x7FFFFFFF, v4;
	v5 =	vadd.f32 v5, v59;
	v6 =	vsub.f32 $3.000000120e-01, v6  }
0xd9: {  	v0 =	vand.u32 $0x7FFFFFFF, v0;
	v2 =	vand.u32 $0x7FFFFFFF, v2;
	v1 =	vmax.f32 v1, v4  }
0xda: {  	vm0 =	vgt.f32 v1, $9.899999610e+00;
	v61 =	vsub.f32 $3.000000120e-01, v5;
	v60 =	vmax.f32 v6, $0.0e+00  }
0xdb: {  	v0 =	vmax.f32 v0, v2;
	v1 =	vsel vm0, $0x3FA66666, v60  }
0xdc: {  	vm15 =	vgt.f32 v0, $9.899999610e+00;
	v63 =	vmax.f32 v61, $0.0e+00;
	v62 =	vmul.f32 v1, v1  }
0xdd: {  	v1 =	vsel vm15, $0x3FA66666, v63  }
0xde: {  	v1 =	vmul.f32 v1, v1;
	v0 =	vadd.f32 v62, v3;
	_ =	sdelay $0x1  }
0xdf: {  	v0 =	vadd.f32 v1, v0;
	_ =	sdelay $0x1  }
0xe0: {  	s16 =	sadd.s32 $0x1, s16;
	v0 =	vmul.f32 $1.000000000e+02, v0  }
0xe1: {  	p0 =	sne.s32 s16, s8  }
.Ltmp2:
0xe2: {  	[tilespmem:$0x1D000] =	vst v0;
	(pc) =	sbr.rel @p0 .LBB2_1-.Ltmp2, $4  }
0xe3: {  	[hbm4b:s7+s2] =	stream.linear.scatter [tilespmem:s14], [sflag:$0x3], $0x10, $0x38;
	[tilespmem:$0x1D080] =	vst v63  }
0xe4: {  	_ =	swait.ge [sflag:s15], $0x10  }
0xe5: {  	[sflag:s15] =	ssyncset.done $0x0  }
0xe6: {  	[sflag:s15] =	ssyncadd.s32 $0xFFFFFFF0  }
0xe7: {  	_ =	sfence.sel $0x180000  }
0xe8: {  	[bflag:$0x0] =	sbarrier.arrive $0xFFFF  }
0xe9: {  	p0 =	sne.s32 s1, $0x0;
	_ =	strace $0x90000047  }
0xea: {  	s0 =	sadd.s32 @!p0 $0x100000, s0;
	[bflag:$0x2] =	sbarrier.arrive $0xFFFF  }
0xeb: {  	[sflag:s0] =	ssyncadd.tile.s32 @!p0 $0x1;
	_ =	shalt  }
.Lfunc_end2:
_tile_overlayer_lowered:
.L_overlay_start_2:
0xec: {  	(tag) =	ssettag $0x2  }
0xed: {  	s0 =	rddreg [dreg:$0x0];
	s2 =	stileid.u32  }
0xee: {  	s1 =	rddreg [dreg:$0x1];
	p0 =	sne.s32 s2, $0x0  }
0xef: {  	s3 =	rddreg [dreg:$0x2];
	[bflag:$0x3] =	sbarrier.arrive $0xFFFF;
	s2 =	simm.s32 @!p0 $0x1C03  }
0xf0: {  	[timem:s3], [sflag:s2] =	dma.local @!p0 [hbm:s0], s1  }
0xf1: {  	s0 =	simm.s32 @!p0 $0x3  }
0xf2: {  	_ =	swait.ge @!p0 [sflag:s0], s1  }
0xf3: {  	s1 =	ssub.s32 @!p0 $0x0, s1;
	[sflag:s0] =	ssyncset.done @!p0 $0x0  }
0xf4: {  	[sflag:s0] =	ssyncadd.s32 @!p0 s1  }
0xf5: {  	[bflag:$0x3] =	sbarrier.arrive $0xFFFF  }
0xf6: {  	_ =	shalt  }

</sc_bundles>
